<compile_context>
chip_gen: v7x
topology: tpu7x:2x2x1
jax: 0.10.2.dev20260603
libtpu: 0.0.44.dev20260713+nightly
codegen_flags: <defaults>
</compile_context>

<pallas_src>
import functools

import jax
import jax.numpy as jnp
from jax import lax
from jax.experimental import pallas as pl
from jax.experimental.pallas import tpu as pltpu
from jax.experimental.pallas import tpu_sc as plsc

NC = 2
NS = 16
NW = NC * NS
LANES = 16
CH = 128


def _dotT(a, b):
    return lax.dot_general(a, b, (((1,), (1,)), ((), ())),
                           preferred_element_type=jnp.float32)



def _tc_pre_body(x_ref, wl_ref, wr_ref, bl_ref, m_ref, r_ref):
    xb = x_ref[...]
    m_ref[...] = _dotT(xb, wl_ref[...])
    r_ref[...] = _dotT(xb, wr_ref[...]) + bl_ref[...]


def _tc_mid_body(p_ref, cnt_ref, r_ref, wl_ref, wr_ref, bl_ref, m_ref, rn_ref):
    cb = cnt_ref[...]
    cnt = cb[0, :, 0:1] + cb[1, :, 0:1]
    inv = 1.0 / jnp.maximum(cnt, 1.0)
    h = (p_ref[0] + p_ref[1]) * inv + r_ref[...]
    h = jnp.maximum(h, 0.0)
    m_ref[...] = _dotT(h, wl_ref[...])
    rn_ref[...] = _dotT(h, wr_ref[...]) + bl_ref[...]


def _tc_fin_body(p_ref, cnt_ref, r_ref, o_ref):
    cb = cnt_ref[...]
    cnt = cb[0, :, 0:1] + cb[1, :, 0:1]
    inv = 1.0 / jnp.maximum(cnt, 1.0)
    o_ref[...] = (p_ref[0] + p_ref[1]) * inv + r_ref[...]



def _make_sc_agg(n_nodes, np_rows, d, nchunk):
    mesh = plsc.VectorSubcoreMesh(core_axis_name="c", subcore_axis_name="s")
    rpt = np_rows // NS

    @functools.partial(
        pl.kernel,
        out_type=jax.ShapeDtypeStruct((NC, np_rows, d), jnp.float32),
        mesh=mesh,
        scratch_types=[
            pltpu.VMEM_SHARED((np_rows, d), jnp.float32),
            pltpu.VMEM((nchunk, CH), jnp.int32),
            pltpu.VMEM((nchunk, CH), jnp.int32),
            pltpu.VMEM((CH, d), jnp.float32),
            pltpu.SemaphoreType.DMA,
        ],
    )
    def sc_agg(m_hbm, src_hbm, dst_hbm, z_hbm, out_hbm,
               acc_sh, src_v, dst_v, rows_v, sem):
        c = lax.axis_index("c")
        s = lax.axis_index("s")
        wid = s * NC + c
        r0 = s * rpt
        pltpu.sync_copy(z_hbm.at[pl.ds(r0, rpt)], acc_sh.at[pl.ds(r0, rpt)])
        pltpu.sync_copy(src_hbm.at[wid], src_v)
        pltpu.sync_copy(dst_hbm.at[wid], dst_v)
        plsc.subcore_barrier()

        def step(j, carry):
            pltpu.async_copy(m_hbm.at[src_v.at[j]], rows_v, sem).wait()
            pltpu.sync_copy(rows_v, acc_sh.at[dst_v.at[j]], add=True)
            return carry

        lax.fori_loop(0, nchunk, step, 0, unroll=False)
        plsc.subcore_barrier()
        pltpu.sync_copy(acc_sh.at[pl.ds(r0, rpt)],
                        out_hbm.at[c, pl.ds(r0, rpt)])

    return sc_agg


def _make_sc_cnt(np_rows, d, nchunk):
    mesh = plsc.VectorSubcoreMesh(core_axis_name="c", subcore_axis_name="s")
    rpt = np_rows // NS

    @functools.partial(
        pl.kernel,
        out_type=jax.ShapeDtypeStruct((NC, np_rows, d), jnp.float32),
        mesh=mesh,
        scratch_types=[
            pltpu.VMEM_SHARED((np_rows, d), jnp.float32),
            pltpu.VMEM((nchunk, CH), jnp.int32),
            pltpu.VMEM((CH, d), jnp.float32),
        ],
    )
    def sc_cnt(dst_hbm, ones_hbm, z_hbm, out_hbm, cnt_sh, dst_v, ones_v):
        c = lax.axis_index("c")
        s = lax.axis_index("s")
        wid = s * NC + c
        r0 = s * rpt
        pltpu.sync_copy(z_hbm.at[pl.ds(r0, rpt)], cnt_sh.at[pl.ds(r0, rpt)])
        pltpu.sync_copy(dst_hbm.at[wid], dst_v)
        pltpu.sync_copy(ones_hbm, ones_v)
        plsc.subcore_barrier()

        def step(j, carry):
            pltpu.sync_copy(ones_v, cnt_sh.at[dst_v.at[j]], add=True)
            return carry

        lax.fori_loop(0, nchunk, step, 0, unroll=False)
        plsc.subcore_barrier()
        pltpu.sync_copy(cnt_sh.at[pl.ds(r0, rpt)],
                        out_hbm.at[c, pl.ds(r0, rpt)])

    return sc_cnt



def kernel(x, edge_index, Wl0, bl0, Wr0, Wl1, bl1, Wr1, Wl2, bl2, Wr2):
    n, d = x.shape
    e = edge_index.shape[1]

    ew = -(-e // (NW * CH)) * CH
    ep = ew * NW
    nchunk = ew // CH
    np_rows = -(-(n + LANES) // 1024) * 1024
    blk = 1024
    grid = (-(-n // blk),)

    src = edge_index[0]
    dst = edge_index[1]
    pad = ep - e
    src_p = jnp.concatenate([src, jnp.zeros((pad,), jnp.int32)]).reshape(NW, nchunk, CH)
    dst_p = jnp.concatenate([dst, jnp.full((pad,), n, jnp.int32)]).reshape(NW, nchunk, CH)
    zeros_d = jnp.zeros((np_rows, d), jnp.float32)
    ones_c = jnp.ones((CH, d), jnp.float32)

    sc_agg = _make_sc_agg(n, np_rows, d, nchunk)
    sc_cnt = _make_sc_cnt(np_rows, d, nchunk)

    w_spec = pl.BlockSpec((d, d), lambda i: (0, 0))
    b_spec = pl.BlockSpec((1, d), lambda i: (0, 0))
    h_spec = pl.BlockSpec((blk, d), lambda i: (i, 0))
    p_spec = pl.BlockSpec((NC, blk, d), lambda i: (0, i, 0))
    c_spec = p_spec
    h_sds = jax.ShapeDtypeStruct((n, d), jnp.float32)

    tc_pre = pl.pallas_call(
        _tc_pre_body, grid=grid,
        in_specs=[h_spec, w_spec, w_spec, b_spec],
        out_specs=[h_spec, h_spec],
        out_shape=[h_sds, h_sds],
    )
    tc_mid = pl.pallas_call(
        _tc_mid_body, grid=grid,
        in_specs=[p_spec, c_spec, h_spec, w_spec, w_spec, b_spec],
        out_specs=[h_spec, h_spec],
        out_shape=[h_sds, h_sds],
    )
    tc_fin = pl.pallas_call(
        _tc_fin_body, grid=grid,
        in_specs=[p_spec, c_spec, h_spec],
        out_specs=h_spec,
        out_shape=h_sds,
    )

    cnt = sc_cnt(dst_p, ones_c, zeros_d)

    m, r = tc_pre(x, Wl0, Wr0, bl0.reshape(1, d))
    p = sc_agg(m, src_p, dst_p, zeros_d)
    m, r = tc_mid(p, cnt, r, Wl1, Wr1, bl1.reshape(1, d))
    p = sc_agg(m, src_p, dst_p, zeros_d)
    m, r = tc_mid(p, cnt, r, Wl2, Wr2, bl2.reshape(1, d))
    p = sc_agg(m, src_p, dst_p, zeros_d)
    return tc_fin(p, cnt, r)

# --- scband reference (transcript-rebuilt; emitter-appended) ---
"""Pipeline reference for scband-modified-base-net-9113920602557 (READ-ONLY COPY).

The authoritative reference and input builder live on the scoring server;
editing this copy changes nothing except your own understanding.
"""

import jax, jax.numpy as jnp
import numpy as np

N = 10000
E = 320000
D = 128
L = 3


def setup_inputs(seed: int = 0) -> dict:
    key = jax.random.key(seed)
    ks = jax.random.split(key, 2 + 3 * L)
    inp = {}
    inp["x"] = jax.random.normal(ks[0], (N, D), dtype=jnp.float32)
    inp["edge_index"] = jax.random.randint(ks[1], (2, E), 0, N, dtype=jnp.int32)
    s = 1.0 / np.sqrt(D)
    for i in range(L):
        inp[f"Wl{i}"] = jax.random.uniform(ks[2 + 3 * i], (D, D), jnp.float32, -s, s)
        inp[f"bl{i}"] = jax.random.uniform(ks[3 + 3 * i], (D,), jnp.float32, -s, s)
        inp[f"Wr{i}"] = jax.random.uniform(ks[4 + 3 * i], (D, D), jnp.float32, -s, s)
    return inp


def _sage_layer(h, edge_index, Wl, bl, Wr):
    # ModifiedSAGEConv forward: mean-aggregate neighbor messages, then
    # out = lin_l(agg) + lin_r(x) (root_weight=True, normalize=False, project=False)
    src = edge_index[0]
    dst = edge_index[1]
    n = h.shape[0]
    msgs = jnp.take(h, src, axis=0)
    agg = jax.ops.segment_sum(msgs, dst, num_segments=n)
    cnt = jax.ops.segment_sum(jnp.ones((edge_index.shape[1],), h.dtype), dst, num_segments=n)
    agg = agg / jnp.clip(cnt, 1.0)[:, None]
    out = agg @ Wl.T + bl + h @ Wr.T
    return out


def reference(x, edge_index, Wl0, bl0, Wr0, Wl1, bl1, Wr1, Wl2, bl2, Wr2):
    params = [(Wl0, bl0, Wr0), (Wl1, bl1, Wr1), (Wl2, bl2, Wr2)]
    h = x
    for i, (Wl, bl, Wr) in enumerate(params):
        h = _sage_layer(h, edge_index, Wl, bl, Wr)
        if i != L - 1:
            h = jax.nn.relu(h)
    return h

if __name__ == "__main__":
    import jax
    _d = setup_inputs()
    print(jax.jit(kernel)(*tuple(_d.values())))

</pallas_src>

<mosaic_0001>
#map = affine_map<(d0, d1) -> (0, 0)>
#map1 = affine_map<(d0, d1) -> (0, 0, 0)>
module attributes {stable_mosaic.version = 14 : i64} {
  func.func @sc_agg(%arg0: i32, %arg1: i32, %arg2: memref<10000x128xf32, #tpu.memory_space<hbm>>, %arg3: memref<32x79x128xi32, #tpu.memory_space<hbm>>, %arg4: memref<32x79x128xi32, #tpu.memory_space<hbm>>, %arg5: memref<10240x128xf32, #tpu.memory_space<hbm>>, %arg6: memref<2x10240x128xf32, #tpu.memory_space<hbm>>, %arg7: memref<10240x128xf32, #tpu.memory_space<vmem_shared>>, %arg8: memref<79x128xi32, #tpu.memory_space<vmem>>, %arg9: memref<79x128xi32, #tpu.memory_space<vmem>>, %arg10: memref<128x128xf32, #tpu.memory_space<vmem>>, %arg11: memref<!tpu.dma_semaphore, #tpu.memory_space<semaphore_mem>>) attributes {dimension_semantics = [#tpu.dimension_semantics<core_parallel>, #tpu.dimension_semantics<subcore_parallel>], iteration_bounds = array<i64: 2, 16>, scalar_prefetch = 0 : i64, scratch_operands = 5 : i64, tpu.core_type = #tpu.core_type<sc_vector_subcore>, window_params = [{transform_indices = #map}, {transform_indices = #map1}, {transform_indices = #map1}, {transform_indices = #map}, {transform_indices = #map1}]} {
    %mul3A = arith.constant 2 : i32
    %mul3A_0 = arith.muli %arg1, %mul3A : i32
    %add3A = arith.addi %mul3A_0, %arg0 : i32
    %mul3A_1 = arith.constant 640 : i32
    %mul3A_2 = arith.muli %arg1, %mul3A_1 : i32
    "tpu.region"() ({
      %run_scoped3A = tpu.sem_alloc : memref<!tpu.dma_semaphore, #tpu.memory_space<semaphore_mem>>
      %dma_start3A = arith.constant 0 : i32
      %dma_start3A_9 = tpu.memref_slice %arg7[%mul3A_2, %dma_start3A] : memref<10240x128xf32, #tpu.memory_space<vmem_shared>> -> memref<640x128xf32, #tpu.memory_space<vmem_shared>>
      %dma_start3A_10 = arith.constant 0 : i32
      %dma_start3A_11 = tpu.memref_slice %arg5[%mul3A_2, %dma_start3A_10] : memref<10240x128xf32, #tpu.memory_space<hbm>> -> memref<640x128xf32, #tpu.memory_space<hbm>>
      tpu.enqueue_dma source(%dma_start3A_11 : memref<640x128xf32, #tpu.memory_space<hbm>>) target(%dma_start3A_9 : memref<640x128xf32, #tpu.memory_space<vmem_shared>>) target_semaphore(%run_scoped3A : memref<!tpu.dma_semaphore, #tpu.memory_space<semaphore_mem>>)
      %dma_wait3A = arith.constant 0 : i32
      %dma_wait3A_12 = tpu.memref_slice %arg7[%mul3A_2, %dma_wait3A] : memref<10240x128xf32, #tpu.memory_space<vmem_shared>> -> memref<640x128xf32, #tpu.memory_space<vmem_shared>>
      %dma_wait3A_13 = arith.constant 0 : i32
      %dma_wait3A_14 = tpu.memref_slice %arg5[%mul3A_2, %dma_wait3A_13] : memref<10240x128xf32, #tpu.memory_space<hbm>> -> memref<640x128xf32, #tpu.memory_space<hbm>>
      tpu.wait_dma2 semaphore(%run_scoped3A : memref<!tpu.dma_semaphore, #tpu.memory_space<semaphore_mem>>) src(%dma_wait3A_14 : memref<640x128xf32, #tpu.memory_space<hbm>>) dst(%dma_wait3A_12 : memref<640x128xf32, #tpu.memory_space<vmem_shared>>)
      tpu.yield
    }) : () -> ()
    "tpu.region"() ({
      %run_scoped3A = tpu.sem_alloc : memref<!tpu.dma_semaphore, #tpu.memory_space<semaphore_mem>>
      %dma_start3A = arith.constant 0 : i32
      %dma_start3A_9 = arith.constant 0 : i32
      %dma_start3A_10 = tpu.memref_slice %arg3[%add3A, %dma_start3A, %dma_start3A_9] : memref<32x79x128xi32, #tpu.memory_space<hbm>> -> memref<1x79x128xi32, #tpu.memory_space<hbm>>
      %dma_start3A_11 = tpu.memref_squeeze %dma_start3A_10 : memref<1x79x128xi32, #tpu.memory_space<hbm>> -> memref<79x128xi32, #tpu.memory_space<hbm>>
      %dma_start3A_12 = arith.constant 0 : i32
      %dma_start3A_13 = arith.constant 0 : i32
      %dma_start3A_14 = tpu.memref_slice %arg3[%add3A, %dma_start3A_12, %dma_start3A_13] : memref<32x79x128xi32, #tpu.memory_space<hbm>> -> memref<1x79x128xi32, #tpu.memory_space<hbm>>
      %dma_start3A_15 = tpu.memref_squeeze %dma_start3A_14 : memref<1x79x128xi32, #tpu.memory_space<hbm>> -> memref<79x128xi32, #tpu.memory_space<hbm>>
      tpu.enqueue_dma source(%dma_start3A_15 : memref<79x128xi32, #tpu.memory_space<hbm>>) target(%arg8 : memref<79x128xi32, #tpu.memory_space<vmem>>) target_semaphore(%run_scoped3A : memref<!tpu.dma_semaphore, #tpu.memory_space<semaphore_mem>>)
      %dma_wait3A = arith.constant 0 : i32
      %dma_wait3A_16 = arith.constant 0 : i32
      %dma_wait3A_17 = tpu.memref_slice %arg3[%add3A, %dma_wait3A, %dma_wait3A_16] : memref<32x79x128xi32, #tpu.memory_space<hbm>> -> memref<1x79x128xi32, #tpu.memory_space<hbm>>
      %dma_wait3A_18 = tpu.memref_squeeze %dma_wait3A_17 : memref<1x79x128xi32, #tpu.memory_space<hbm>> -> memref<79x128xi32, #tpu.memory_space<hbm>>
      %dma_wait3A_19 = arith.constant 0 : i32
      %dma_wait3A_20 = arith.constant 0 : i32
      %dma_wait3A_21 = tpu.memref_slice %arg3[%add3A, %dma_wait3A_19, %dma_wait3A_20] : memref<32x79x128xi32, #tpu.memory_space<hbm>> -> memref<1x79x128xi32, #tpu.memory_space<hbm>>
      %dma_wait3A_22 = tpu.memref_squeeze %dma_wait3A_21 : memref<1x79x128xi32, #tpu.memory_space<hbm>> -> memref<79x128xi32, #tpu.memory_space<hbm>>
      tpu.wait_dma2 semaphore(%run_scoped3A : memref<!tpu.dma_semaphore, #tpu.memory_space<semaphore_mem>>) src(%dma_wait3A_22 : memref<79x128xi32, #tpu.memory_space<hbm>>) dst(%arg8 : memref<79x128xi32, #tpu.memory_space<vmem>>)
      tpu.yield
    }) : () -> ()
    "tpu.region"() ({
      %run_scoped3A = tpu.sem_alloc : memref<!tpu.dma_semaphore, #tpu.memory_space<semaphore_mem>>
      %dma_start3A = arith.constant 0 : i32
      %dma_start3A_9 = arith.constant 0 : i32
      %dma_start3A_10 = tpu.memref_slice %arg4[%add3A, %dma_start3A, %dma_start3A_9] : memref<32x79x128xi32, #tpu.memory_space<hbm>> -> memref<1x79x128xi32, #tpu.memory_space<hbm>>
      %dma_start3A_11 = tpu.memref_squeeze %dma_start3A_10 : memref<1x79x128xi32, #tpu.memory_space<hbm>> -> memref<79x128xi32, #tpu.memory_space<hbm>>
      %dma_start3A_12 = arith.constant 0 : i32
      %dma_start3A_13 = arith.constant 0 : i32
      %dma_start3A_14 = tpu.memref_slice %arg4[%add3A, %dma_start3A_12, %dma_start3A_13] : memref<32x79x128xi32, #tpu.memory_space<hbm>> -> memref<1x79x128xi32, #tpu.memory_space<hbm>>
      %dma_start3A_15 = tpu.memref_squeeze %dma_start3A_14 : memref<1x79x128xi32, #tpu.memory_space<hbm>> -> memref<79x128xi32, #tpu.memory_space<hbm>>
      tpu.enqueue_dma source(%dma_start3A_15 : memref<79x128xi32, #tpu.memory_space<hbm>>) target(%arg9 : memref<79x128xi32, #tpu.memory_space<vmem>>) target_semaphore(%run_scoped3A : memref<!tpu.dma_semaphore, #tpu.memory_space<semaphore_mem>>)
      %dma_wait3A = arith.constant 0 : i32
      %dma_wait3A_16 = arith.constant 0 : i32
      %dma_wait3A_17 = tpu.memref_slice %arg4[%add3A, %dma_wait3A, %dma_wait3A_16] : memref<32x79x128xi32, #tpu.memory_space<hbm>> -> memref<1x79x128xi32, #tpu.memory_space<hbm>>
      %dma_wait3A_18 = tpu.memref_squeeze %dma_wait3A_17 : memref<1x79x128xi32, #tpu.memory_space<hbm>> -> memref<79x128xi32, #tpu.memory_space<hbm>>
      %dma_wait3A_19 = arith.constant 0 : i32
      %dma_wait3A_20 = arith.constant 0 : i32
      %dma_wait3A_21 = tpu.memref_slice %arg4[%add3A, %dma_wait3A_19, %dma_wait3A_20] : memref<32x79x128xi32, #tpu.memory_space<hbm>> -> memref<1x79x128xi32, #tpu.memory_space<hbm>>
      %dma_wait3A_22 = tpu.memref_squeeze %dma_wait3A_21 : memref<1x79x128xi32, #tpu.memory_space<hbm>> -> memref<79x128xi32, #tpu.memory_space<hbm>>
      tpu.wait_dma2 semaphore(%run_scoped3A : memref<!tpu.dma_semaphore, #tpu.memory_space<semaphore_mem>>) src(%dma_wait3A_22 : memref<79x128xi32, #tpu.memory_space<hbm>>) dst(%arg9 : memref<79x128xi32, #tpu.memory_space<vmem>>)
      tpu.yield
    }) : () -> ()
    %barrier3A = arith.constant 0 : index
    tpu.barrier barrier_id(%barrier3A)
    %scan3A = arith.constant 0 : i32
    %scan3A_3 = arith.constant 0 : i32
    %scan3A_4 = arith.constant 79 : i32
    %scan3A_5 = arith.addi %scan3A_3, %scan3A_4 : i32
    %scan3A_6 = arith.constant 1 : i32
    scf.for %scan3A_9 = %scan3A_3 to %scan3A_5 step %scan3A_6  : i32 {
      %dma_start3A = arith.constant 0 : i32
      %dma_start3A_10 = tpu.memref_slice %arg8[%scan3A_9, %dma_start3A] : memref<79x128xi32, #tpu.memory_space<vmem>> -> memref<1x128xi32, #tpu.memory_space<vmem>>
      %dma_start3A_11 = tpu.memref_squeeze %dma_start3A_10 : memref<1x128xi32, #tpu.memory_space<vmem>> -> memref<128xi32, #tpu.memory_space<vmem>>
      %dma_start3A_12 = arith.constant 0 : i32
      %dma_start3A_13 = arith.constant 0 : i32
      %dma_start3A_14 = tpu.memref_slice %arg2[%dma_start3A_12, %dma_start3A_13] : memref<10000x128xf32, #tpu.memory_space<hbm>> -> memref<10000x128xf32, #tpu.memory_space<hbm>>
      tpu.enqueue_indirect_dma source(%dma_start3A_14 : memref<10000x128xf32, #tpu.memory_space<hbm>>) target(%arg10 : memref<128x128xf32, #tpu.memory_space<vmem>>) offsets(%dma_start3A_11 : memref<128xi32, #tpu.memory_space<vmem>>) semaphore(%arg11 : memref<!tpu.dma_semaphore, #tpu.memory_space<semaphore_mem>>)
      %dma_wait3A = arith.constant 0 : i32
      %dma_wait3A_15 = tpu.memref_slice %arg8[%scan3A_9, %dma_wait3A] : memref<79x128xi32, #tpu.memory_space<vmem>> -> memref<1x128xi32, #tpu.memory_space<vmem>>
      %dma_wait3A_16 = tpu.memref_squeeze %dma_wait3A_15 : memref<1x128xi32, #tpu.memory_space<vmem>> -> memref<128xi32, #tpu.memory_space<vmem>>
      %dma_wait3A_17 = arith.constant 0 : i32
      %dma_wait3A_18 = arith.constant 0 : i32
      %dma_wait3A_19 = tpu.memref_slice %arg2[%dma_wait3A_17, %dma_wait3A_18] : memref<10000x128xf32, #tpu.memory_space<hbm>> -> memref<10000x128xf32, #tpu.memory_space<hbm>>
      tpu.wait_indirect_dma semaphore(%arg11 : memref<!tpu.dma_semaphore, #tpu.memory_space<semaphore_mem>>) src(%dma_wait3A_19 : memref<10000x128xf32, #tpu.memory_space<hbm>>) dst(%arg10 : memref<128x128xf32, #tpu.memory_space<vmem>>)
      "tpu.region"() ({
        %run_scoped3A = tpu.sem_alloc : memref<!tpu.dma_semaphore, #tpu.memory_space<semaphore_mem>>
        %dma_start3A_20 = arith.constant 0 : i32
        %dma_start3A_21 = tpu.memref_slice %arg9[%scan3A_9, %dma_start3A_20] : memref<79x128xi32, #tpu.memory_space<vmem>> -> memref<1x128xi32, #tpu.memory_space<vmem>>
        %dma_start3A_22 = tpu.memref_squeeze %dma_start3A_21 : memref<1x128xi32, #tpu.memory_space<vmem>> -> memref<128xi32, #tpu.memory_space<vmem>>
        %dma_start3A_23 = arith.constant 0 : i32
        %dma_start3A_24 = arith.constant 0 : i32
        %dma_start3A_25 = tpu.memref_slice %arg7[%dma_start3A_23, %dma_start3A_24] : memref<10240x128xf32, #tpu.memory_space<vmem_shared>> -> memref<10240x128xf32, #tpu.memory_space<vmem_shared>>
        tpu.enqueue_indirect_dma source(%arg10 : memref<128x128xf32, #tpu.memory_space<vmem>>) target(%dma_start3A_25 : memref<10240x128xf32, #tpu.memory_space<vmem_shared>>) offsets(%dma_start3A_22 : memref<128xi32, #tpu.memory_space<vmem>>) semaphore(%run_scoped3A : memref<!tpu.dma_semaphore, #tpu.memory_space<semaphore_mem>>) {add = true}
        %dma_wait3A_26 = arith.constant 0 : i32
        %dma_wait3A_27 = tpu.memref_slice %arg9[%scan3A_9, %dma_wait3A_26] : memref<79x128xi32, #tpu.memory_space<vmem>> -> memref<1x128xi32, #tpu.memory_space<vmem>>
        %dma_wait3A_28 = tpu.memref_squeeze %dma_wait3A_27 : memref<1x128xi32, #tpu.memory_space<vmem>> -> memref<128xi32, #tpu.memory_space<vmem>>
        %dma_wait3A_29 = arith.constant 0 : i32
        %dma_wait3A_30 = arith.constant 0 : i32
        %dma_wait3A_31 = tpu.memref_slice %arg7[%dma_wait3A_29, %dma_wait3A_30] : memref<10240x128xf32, #tpu.memory_space<vmem_shared>> -> memref<10240x128xf32, #tpu.memory_space<vmem_shared>>
        tpu.wait_indirect_dma semaphore(%run_scoped3A : memref<!tpu.dma_semaphore, #tpu.memory_space<semaphore_mem>>) src(%arg10 : memref<128x128xf32, #tpu.memory_space<vmem>>) dst(%dma_wait3A_31 : memref<10240x128xf32, #tpu.memory_space<vmem_shared>>)
        tpu.yield
      }) : () -> ()
    }
    %scan3A_7 = arith.constant 79 : i32
    %barrier3A_8 = arith.constant 0 : index
    tpu.barrier barrier_id(%barrier3A_8)
    "tpu.region"() ({
      %run_scoped3A = tpu.sem_alloc : memref<!tpu.dma_semaphore, #tpu.memory_space<semaphore_mem>>
      %dma_start3A = arith.constant 0 : i32
      %dma_start3A_9 = tpu.memref_slice %arg6[%arg0, %mul3A_2, %dma_start3A] : memref<2x10240x128xf32, #tpu.memory_space<hbm>> -> memref<1x640x128xf32, #tpu.memory_space<hbm>>
      %dma_start3A_10 = tpu.memref_squeeze %dma_start3A_9 : memref<1x640x128xf32, #tpu.memory_space<hbm>> -> memref<640x128xf32, #tpu.memory_space<hbm>>
      %dma_start3A_11 = arith.constant 0 : i32
      %dma_start3A_12 = tpu.memref_slice %arg7[%mul3A_2, %dma_start3A_11] : memref<10240x128xf32, #tpu.memory_space<vmem_shared>> -> memref<640x128xf32, #tpu.memory_space<vmem_shared>>
      tpu.enqueue_dma source(%dma_start3A_12 : memref<640x128xf32, #tpu.memory_space<vmem_shared>>) target(%dma_start3A_10 : memref<640x128xf32, #tpu.memory_space<hbm>>) target_semaphore(%run_scoped3A : memref<!tpu.dma_semaphore, #tpu.memory_space<semaphore_mem>>)
      %dma_wait3A = arith.constant 0 : i32
      %dma_wait3A_13 = tpu.memref_slice %arg6[%arg0, %mul3A_2, %dma_wait3A] : memref<2x10240x128xf32, #tpu.memory_space<hbm>> -> memref<1x640x128xf32, #tpu.memory_space<hbm>>
      %dma_wait3A_14 = tpu.memref_squeeze %dma_wait3A_13 : memref<1x640x128xf32, #tpu.memory_space<hbm>> -> memref<640x128xf32, #tpu.memory_space<hbm>>
      %dma_wait3A_15 = arith.constant 0 : i32
      %dma_wait3A_16 = tpu.memref_slice %arg7[%mul3A_2, %dma_wait3A_15] : memref<10240x128xf32, #tpu.memory_space<vmem_shared>> -> memref<640x128xf32, #tpu.memory_space<vmem_shared>>
      tpu.wait_dma2 semaphore(%run_scoped3A : memref<!tpu.dma_semaphore, #tpu.memory_space<semaphore_mem>>) src(%dma_wait3A_16 : memref<640x128xf32, #tpu.memory_space<vmem_shared>>) dst(%dma_wait3A_14 : memref<640x128xf32, #tpu.memory_space<hbm>>)
      tpu.yield
    }) : () -> ()
    return
  }
}

#map = affine_map<(d0, d1) -> (0, 0, 0)>
#map1 = affine_map<(d0, d1) -> (0, 0)>
module attributes {stable_mosaic.version = 14 : i64} {
  func.func @sc_cnt(%arg0: i32, %arg1: i32, %arg2: memref<32x79x128xi32, #tpu.memory_space<hbm>>, %arg3: memref<128x128xf32, #tpu.memory_space<hbm>>, %arg4: memref<10240x128xf32, #tpu.memory_space<hbm>>, %arg5: memref<2x10240x128xf32, #tpu.memory_space<hbm>>, %arg6: memref<10240x128xf32, #tpu.memory_space<vmem_shared>>, %arg7: memref<79x128xi32, #tpu.memory_space<vmem>>, %arg8: memref<128x128xf32, #tpu.memory_space<vmem>>) attributes {dimension_semantics = [#tpu.dimension_semantics<core_parallel>, #tpu.dimension_semantics<subcore_parallel>], iteration_bounds = array<i64: 2, 16>, scalar_prefetch = 0 : i64, scratch_operands = 3 : i64, tpu.core_type = #tpu.core_type<sc_vector_subcore>, window_params = [{transform_indices = #map}, {transform_indices = #map1}, {transform_indices = #map1}, {transform_indices = #map}]} {
    %mul3A = arith.constant 2 : i32
    %mul3A_0 = arith.muli %arg1, %mul3A : i32
    %add3A = arith.addi %mul3A_0, %arg0 : i32
    %mul3A_1 = arith.constant 640 : i32
    %mul3A_2 = arith.muli %arg1, %mul3A_1 : i32
    "tpu.region"() ({
      %run_scoped3A = tpu.sem_alloc : memref<!tpu.dma_semaphore, #tpu.memory_space<semaphore_mem>>
      %dma_start3A = arith.constant 0 : i32
      %dma_start3A_9 = tpu.memref_slice %arg6[%mul3A_2, %dma_start3A] : memref<10240x128xf32, #tpu.memory_space<vmem_shared>> -> memref<640x128xf32, #tpu.memory_space<vmem_shared>>
      %dma_start3A_10 = arith.constant 0 : i32
      %dma_start3A_11 = tpu.memref_slice %arg4[%mul3A_2, %dma_start3A_10] : memref<10240x128xf32, #tpu.memory_space<hbm>> -> memref<640x128xf32, #tpu.memory_space<hbm>>
      tpu.enqueue_dma source(%dma_start3A_11 : memref<640x128xf32, #tpu.memory_space<hbm>>) target(%dma_start3A_9 : memref<640x128xf32, #tpu.memory_space<vmem_shared>>) target_semaphore(%run_scoped3A : memref<!tpu.dma_semaphore, #tpu.memory_space<semaphore_mem>>)
      %dma_wait3A = arith.constant 0 : i32
      %dma_wait3A_12 = tpu.memref_slice %arg6[%mul3A_2, %dma_wait3A] : memref<10240x128xf32, #tpu.memory_space<vmem_shared>> -> memref<640x128xf32, #tpu.memory_space<vmem_shared>>
      %dma_wait3A_13 = arith.constant 0 : i32
      %dma_wait3A_14 = tpu.memref_slice %arg4[%mul3A_2, %dma_wait3A_13] : memref<10240x128xf32, #tpu.memory_space<hbm>> -> memref<640x128xf32, #tpu.memory_space<hbm>>
      tpu.wait_dma2 semaphore(%run_scoped3A : memref<!tpu.dma_semaphore, #tpu.memory_space<semaphore_mem>>) src(%dma_wait3A_14 : memref<640x128xf32, #tpu.memory_space<hbm>>) dst(%dma_wait3A_12 : memref<640x128xf32, #tpu.memory_space<vmem_shared>>)
      tpu.yield
    }) : () -> ()
    "tpu.region"() ({
      %run_scoped3A = tpu.sem_alloc : memref<!tpu.dma_semaphore, #tpu.memory_space<semaphore_mem>>
      %dma_start3A = arith.constant 0 : i32
      %dma_start3A_9 = arith.constant 0 : i32
      %dma_start3A_10 = tpu.memref_slice %arg2[%add3A, %dma_start3A, %dma_start3A_9] : memref<32x79x128xi32, #tpu.memory_space<hbm>> -> memref<1x79x128xi32, #tpu.memory_space<hbm>>
      %dma_start3A_11 = tpu.memref_squeeze %dma_start3A_10 : memref<1x79x128xi32, #tpu.memory_space<hbm>> -> memref<79x128xi32, #tpu.memory_space<hbm>>
      %dma_start3A_12 = arith.constant 0 : i32
      %dma_start3A_13 = arith.constant 0 : i32
      %dma_start3A_14 = tpu.memref_slice %arg2[%add3A, %dma_start3A_12, %dma_start3A_13] : memref<32x79x128xi32, #tpu.memory_space<hbm>> -> memref<1x79x128xi32, #tpu.memory_space<hbm>>
      %dma_start3A_15 = tpu.memref_squeeze %dma_start3A_14 : memref<1x79x128xi32, #tpu.memory_space<hbm>> -> memref<79x128xi32, #tpu.memory_space<hbm>>
      tpu.enqueue_dma source(%dma_start3A_15 : memref<79x128xi32, #tpu.memory_space<hbm>>) target(%arg7 : memref<79x128xi32, #tpu.memory_space<vmem>>) target_semaphore(%run_scoped3A : memref<!tpu.dma_semaphore, #tpu.memory_space<semaphore_mem>>)
      %dma_wait3A = arith.constant 0 : i32
      %dma_wait3A_16 = arith.constant 0 : i32
      %dma_wait3A_17 = tpu.memref_slice %arg2[%add3A, %dma_wait3A, %dma_wait3A_16] : memref<32x79x128xi32, #tpu.memory_space<hbm>> -> memref<1x79x128xi32, #tpu.memory_space<hbm>>
      %dma_wait3A_18 = tpu.memref_squeeze %dma_wait3A_17 : memref<1x79x128xi32, #tpu.memory_space<hbm>> -> memref<79x128xi32, #tpu.memory_space<hbm>>
      %dma_wait3A_19 = arith.constant 0 : i32
      %dma_wait3A_20 = arith.constant 0 : i32
      %dma_wait3A_21 = tpu.memref_slice %arg2[%add3A, %dma_wait3A_19, %dma_wait3A_20] : memref<32x79x128xi32, #tpu.memory_space<hbm>> -> memref<1x79x128xi32, #tpu.memory_space<hbm>>
      %dma_wait3A_22 = tpu.memref_squeeze %dma_wait3A_21 : memref<1x79x128xi32, #tpu.memory_space<hbm>> -> memref<79x128xi32, #tpu.memory_space<hbm>>
      tpu.wait_dma2 semaphore(%run_scoped3A : memref<!tpu.dma_semaphore, #tpu.memory_space<semaphore_mem>>) src(%dma_wait3A_22 : memref<79x128xi32, #tpu.memory_space<hbm>>) dst(%arg7 : memref<79x128xi32, #tpu.memory_space<vmem>>)
      tpu.yield
    }) : () -> ()
    "tpu.region"() ({
      %run_scoped3A = tpu.sem_alloc : memref<!tpu.dma_semaphore, #tpu.memory_space<semaphore_mem>>
      tpu.enqueue_dma source(%arg3 : memref<128x128xf32, #tpu.memory_space<hbm>>) target(%arg8 : memref<128x128xf32, #tpu.memory_space<vmem>>) target_semaphore(%run_scoped3A : memref<!tpu.dma_semaphore, #tpu.memory_space<semaphore_mem>>)
      tpu.wait_dma2 semaphore(%run_scoped3A : memref<!tpu.dma_semaphore, #tpu.memory_space<semaphore_mem>>) src(%arg3 : memref<128x128xf32, #tpu.memory_space<hbm>>) dst(%arg8 : memref<128x128xf32, #tpu.memory_space<vmem>>)
      tpu.yield
    }) : () -> ()
    %barrier3A = arith.constant 0 : index
    tpu.barrier barrier_id(%barrier3A)
    %scan3A = arith.constant 0 : i32
    %scan3A_3 = arith.constant 0 : i32
    %scan3A_4 = arith.constant 79 : i32
    %scan3A_5 = arith.addi %scan3A_3, %scan3A_4 : i32
    %scan3A_6 = arith.constant 1 : i32
    scf.for %scan3A_9 = %scan3A_3 to %scan3A_5 step %scan3A_6  : i32 {
      "tpu.region"() ({
        %run_scoped3A = tpu.sem_alloc : memref<!tpu.dma_semaphore, #tpu.memory_space<semaphore_mem>>
        %dma_start3A = arith.constant 0 : i32
        %dma_start3A_10 = tpu.memref_slice %arg7[%scan3A_9, %dma_start3A] : memref<79x128xi32, #tpu.memory_space<vmem>> -> memref<1x128xi32, #tpu.memory_space<vmem>>
        %dma_start3A_11 = tpu.memref_squeeze %dma_start3A_10 : memref<1x128xi32, #tpu.memory_space<vmem>> -> memref<128xi32, #tpu.memory_space<vmem>>
        %dma_start3A_12 = arith.constant 0 : i32
        %dma_start3A_13 = arith.constant 0 : i32
        %dma_start3A_14 = tpu.memref_slice %arg6[%dma_start3A_12, %dma_start3A_13] : memref<10240x128xf32, #tpu.memory_space<vmem_shared>> -> memref<10240x128xf32, #tpu.memory_space<vmem_shared>>
        tpu.enqueue_indirect_dma source(%arg8 : memref<128x128xf32, #tpu.memory_space<vmem>>) target(%dma_start3A_14 : memref<10240x128xf32, #tpu.memory_space<vmem_shared>>) offsets(%dma_start3A_11 : memref<128xi32, #tpu.memory_space<vmem>>) semaphore(%run_scoped3A : memref<!tpu.dma_semaphore, #tpu.memory_space<semaphore_mem>>) {add = true}
        %dma_wait3A = arith.constant 0 : i32
        %dma_wait3A_15 = tpu.memref_slice %arg7[%scan3A_9, %dma_wait3A] : memref<79x128xi32, #tpu.memory_space<vmem>> -> memref<1x128xi32, #tpu.memory_space<vmem>>
        %dma_wait3A_16 = tpu.memref_squeeze %dma_wait3A_15 : memref<1x128xi32, #tpu.memory_space<vmem>> -> memref<128xi32, #tpu.memory_space<vmem>>
        %dma_wait3A_17 = arith.constant 0 : i32
        %dma_wait3A_18 = arith.constant 0 : i32
        %dma_wait3A_19 = tpu.memref_slice %arg6[%dma_wait3A_17, %dma_wait3A_18] : memref<10240x128xf32, #tpu.memory_space<vmem_shared>> -> memref<10240x128xf32, #tpu.memory_space<vmem_shared>>
        tpu.wait_indirect_dma semaphore(%run_scoped3A : memref<!tpu.dma_semaphore, #tpu.memory_space<semaphore_mem>>) src(%arg8 : memref<128x128xf32, #tpu.memory_space<vmem>>) dst(%dma_wait3A_19 : memref<10240x128xf32, #tpu.memory_space<vmem_shared>>)
        tpu.yield
      }) : () -> ()
    }
    %scan3A_7 = arith.constant 79 : i32
    %barrier3A_8 = arith.constant 0 : index
    tpu.barrier barrier_id(%barrier3A_8)
    "tpu.region"() ({
      %run_scoped3A = tpu.sem_alloc : memref<!tpu.dma_semaphore, #tpu.memory_space<semaphore_mem>>
      %dma_start3A = arith.constant 0 : i32
      %dma_start3A_9 = tpu.memref_slice %arg5[%arg0, %mul3A_2, %dma_start3A] : memref<2x10240x128xf32, #tpu.memory_space<hbm>> -> memref<1x640x128xf32, #tpu.memory_space<hbm>>
      %dma_start3A_10 = tpu.memref_squeeze %dma_start3A_9 : memref<1x640x128xf32, #tpu.memory_space<hbm>> -> memref<640x128xf32, #tpu.memory_space<hbm>>
      %dma_start3A_11 = arith.constant 0 : i32
      %dma_start3A_12 = tpu.memref_slice %arg6[%mul3A_2, %dma_start3A_11] : memref<10240x128xf32, #tpu.memory_space<vmem_shared>> -> memref<640x128xf32, #tpu.memory_space<vmem_shared>>
      tpu.enqueue_dma source(%dma_start3A_12 : memref<640x128xf32, #tpu.memory_space<vmem_shared>>) target(%dma_start3A_10 : memref<640x128xf32, #tpu.memory_space<hbm>>) target_semaphore(%run_scoped3A : memref<!tpu.dma_semaphore, #tpu.memory_space<semaphore_mem>>)
      %dma_wait3A = arith.constant 0 : i32
      %dma_wait3A_13 = tpu.memref_slice %arg5[%arg0, %mul3A_2, %dma_wait3A] : memref<2x10240x128xf32, #tpu.memory_space<hbm>> -> memref<1x640x128xf32, #tpu.memory_space<hbm>>
      %dma_wait3A_14 = tpu.memref_squeeze %dma_wait3A_13 : memref<1x640x128xf32, #tpu.memory_space<hbm>> -> memref<640x128xf32, #tpu.memory_space<hbm>>
      %dma_wait3A_15 = arith.constant 0 : i32
      %dma_wait3A_16 = tpu.memref_slice %arg6[%mul3A_2, %dma_wait3A_15] : memref<10240x128xf32, #tpu.memory_space<vmem_shared>> -> memref<640x128xf32, #tpu.memory_space<vmem_shared>>
      tpu.wait_dma2 semaphore(%run_scoped3A : memref<!tpu.dma_semaphore, #tpu.memory_space<semaphore_mem>>) src(%dma_wait3A_16 : memref<640x128xf32, #tpu.memory_space<vmem_shared>>) dst(%dma_wait3A_14 : memref<640x128xf32, #tpu.memory_space<hbm>>)
      tpu.yield
    }) : () -> ()
    return
  }
}

#map = affine_map<(d0, d1) -> (0, 0)>
#map1 = affine_map<(d0, d1) -> (0, 0, 0)>
module attributes {stable_mosaic.version = 14 : i64} {
  func.func @sc_agg(%arg0: i32, %arg1: i32, %arg2: memref<10000x128xf32, #tpu.memory_space<hbm>>, %arg3: memref<32x79x128xi32, #tpu.memory_space<hbm>>, %arg4: memref<32x79x128xi32, #tpu.memory_space<hbm>>, %arg5: memref<10240x128xf32, #tpu.memory_space<hbm>>, %arg6: memref<2x10240x128xf32, #tpu.memory_space<hbm>>, %arg7: memref<10240x128xf32, #tpu.memory_space<vmem_shared>>, %arg8: memref<79x128xi32, #tpu.memory_space<vmem>>, %arg9: memref<79x128xi32, #tpu.memory_space<vmem>>, %arg10: memref<128x128xf32, #tpu.memory_space<vmem>>, %arg11: memref<!tpu.dma_semaphore, #tpu.memory_space<semaphore_mem>>) attributes {dimension_semantics = [#tpu.dimension_semantics<core_parallel>, #tpu.dimension_semantics<subcore_parallel>], iteration_bounds = array<i64: 2, 16>, scalar_prefetch = 0 : i64, scratch_operands = 5 : i64, tpu.core_type = #tpu.core_type<sc_vector_subcore>, window_params = [{transform_indices = #map}, {transform_indices = #map1}, {transform_indices = #map1}, {transform_indices = #map}, {transform_indices = #map1}]} {
    %mul3A = arith.constant 2 : i32
    %mul3A_0 = arith.muli %arg1, %mul3A : i32
    %add3A = arith.addi %mul3A_0, %arg0 : i32
    %mul3A_1 = arith.constant 640 : i32
    %mul3A_2 = arith.muli %arg1, %mul3A_1 : i32
    "tpu.region"() ({
      %run_scoped3A = tpu.sem_alloc : memref<!tpu.dma_semaphore, #tpu.memory_space<semaphore_mem>>
      %dma_start3A = arith.constant 0 : i32
      %dma_start3A_9 = tpu.memref_slice %arg7[%mul3A_2, %dma_start3A] : memref<10240x128xf32, #tpu.memory_space<vmem_shared>> -> memref<640x128xf32, #tpu.memory_space<vmem_shared>>
      %dma_start3A_10 = arith.constant 0 : i32
      %dma_start3A_11 = tpu.memref_slice %arg5[%mul3A_2, %dma_start3A_10] : memref<10240x128xf32, #tpu.memory_space<hbm>> -> memref<640x128xf32, #tpu.memory_space<hbm>>
      tpu.enqueue_dma source(%dma_start3A_11 : memref<640x128xf32, #tpu.memory_space<hbm>>) target(%dma_start3A_9 : memref<640x128xf32, #tpu.memory_space<vmem_shared>>) target_semaphore(%run_scoped3A : memref<!tpu.dma_semaphore, #tpu.memory_space<semaphore_mem>>)
      %dma_wait3A = arith.constant 0 : i32
      %dma_wait3A_12 = tpu.memref_slice %arg7[%mul3A_2, %dma_wait3A] : memref<10240x128xf32, #tpu.memory_space<vmem_shared>> -> memref<640x128xf32, #tpu.memory_space<vmem_shared>>
      %dma_wait3A_13 = arith.constant 0 : i32
      %dma_wait3A_14 = tpu.memref_slice %arg5[%mul3A_2, %dma_wait3A_13] : memref<10240x128xf32, #tpu.memory_space<hbm>> -> memref<640x128xf32, #tpu.memory_space<hbm>>
      tpu.wait_dma2 semaphore(%run_scoped3A : memref<!tpu.dma_semaphore, #tpu.memory_space<semaphore_mem>>) src(%dma_wait3A_14 : memref<640x128xf32, #tpu.memory_space<hbm>>) dst(%dma_wait3A_12 : memref<640x128xf32, #tpu.memory_space<vmem_shared>>)
      tpu.yield
    }) : () -> ()
    "tpu.region"() ({
      %run_scoped3A = tpu.sem_alloc : memref<!tpu.dma_semaphore, #tpu.memory_space<semaphore_mem>>
      %dma_start3A = arith.constant 0 : i32
      %dma_start3A_9 = arith.constant 0 : i32
      %dma_start3A_10 = tpu.memref_slice %arg3[%add3A, %dma_start3A, %dma_start3A_9] : memref<32x79x128xi32, #tpu.memory_space<hbm>> -> memref<1x79x128xi32, #tpu.memory_space<hbm>>
      %dma_start3A_11 = tpu.memref_squeeze %dma_start3A_10 : memref<1x79x128xi32, #tpu.memory_space<hbm>> -> memref<79x128xi32, #tpu.memory_space<hbm>>
      %dma_start3A_12 = arith.constant 0 : i32
      %dma_start3A_13 = arith.constant 0 : i32
      %dma_start3A_14 = tpu.memref_slice %arg3[%add3A, %dma_start3A_12, %dma_start3A_13] : memref<32x79x128xi32, #tpu.memory_space<hbm>> -> memref<1x79x128xi32, #tpu.memory_space<hbm>>
      %dma_start3A_15 = tpu.memref_squeeze %dma_start3A_14 : memref<1x79x128xi32, #tpu.memory_space<hbm>> -> memref<79x128xi32, #tpu.memory_space<hbm>>
      tpu.enqueue_dma source(%dma_start3A_15 : memref<79x128xi32, #tpu.memory_space<hbm>>) target(%arg8 : memref<79x128xi32, #tpu.memory_space<vmem>>) target_semaphore(%run_scoped3A : memref<!tpu.dma_semaphore, #tpu.memory_space<semaphore_mem>>)
      %dma_wait3A = arith.constant 0 : i32
      %dma_wait3A_16 = arith.constant 0 : i32
      %dma_wait3A_17 = tpu.memref_slice %arg3[%add3A, %dma_wait3A, %dma_wait3A_16] : memref<32x79x128xi32, #tpu.memory_space<hbm>> -> memref<1x79x128xi32, #tpu.memory_space<hbm>>
      %dma_wait3A_18 = tpu.memref_squeeze %dma_wait3A_17 : memref<1x79x128xi32, #tpu.memory_space<hbm>> -> memref<79x128xi32, #tpu.memory_space<hbm>>
      %dma_wait3A_19 = arith.constant 0 : i32
      %dma_wait3A_20 = arith.constant 0 : i32
      %dma_wait3A_21 = tpu.memref_slice %arg3[%add3A, %dma_wait3A_19, %dma_wait3A_20] : memref<32x79x128xi32, #tpu.memory_space<hbm>> -> memref<1x79x128xi32, #tpu.memory_space<hbm>>
      %dma_wait3A_22 = tpu.memref_squeeze %dma_wait3A_21 : memref<1x79x128xi32, #tpu.memory_space<hbm>> -> memref<79x128xi32, #tpu.memory_space<hbm>>
      tpu.wait_dma2 semaphore(%run_scoped3A : memref<!tpu.dma_semaphore, #tpu.memory_space<semaphore_mem>>) src(%dma_wait3A_22 : memref<79x128xi32, #tpu.memory_space<hbm>>) dst(%arg8 : memref<79x128xi32, #tpu.memory_space<vmem>>)
      tpu.yield
    }) : () -> ()
    "tpu.region"() ({
      %run_scoped3A = tpu.sem_alloc : memref<!tpu.dma_semaphore, #tpu.memory_space<semaphore_mem>>
      %dma_start3A = arith.constant 0 : i32
      %dma_start3A_9 = arith.constant 0 : i32
      %dma_start3A_10 = tpu.memref_slice %arg4[%add3A, %dma_start3A, %dma_start3A_9] : memref<32x79x128xi32, #tpu.memory_space<hbm>> -> memref<1x79x128xi32, #tpu.memory_space<hbm>>
      %dma_start3A_11 = tpu.memref_squeeze %dma_start3A_10 : memref<1x79x128xi32, #tpu.memory_space<hbm>> -> memref<79x128xi32, #tpu.memory_space<hbm>>
      %dma_start3A_12 = arith.constant 0 : i32
      %dma_start3A_13 = arith.constant 0 : i32
      %dma_start3A_14 = tpu.memref_slice %arg4[%add3A, %dma_start3A_12, %dma_start3A_13] : memref<32x79x128xi32, #tpu.memory_space<hbm>> -> memref<1x79x128xi32, #tpu.memory_space<hbm>>
      %dma_start3A_15 = tpu.memref_squeeze %dma_start3A_14 : memref<1x79x128xi32, #tpu.memory_space<hbm>> -> memref<79x128xi32, #tpu.memory_space<hbm>>
      tpu.enqueue_dma source(%dma_start3A_15 : memref<79x128xi32, #tpu.memory_space<hbm>>) target(%arg9 : memref<79x128xi32, #tpu.memory_space<vmem>>) target_semaphore(%run_scoped3A : memref<!tpu.dma_semaphore, #tpu.memory_space<semaphore_mem>>)
      %dma_wait3A = arith.constant 0 : i32
      %dma_wait3A_16 = arith.constant 0 : i32
      %dma_wait3A_17 = tpu.memref_slice %arg4[%add3A, %dma_wait3A, %dma_wait3A_16] : memref<32x79x128xi32, #tpu.memory_space<hbm>> -> memref<1x79x128xi32, #tpu.memory_space<hbm>>
      %dma_wait3A_18 = tpu.memref_squeeze %dma_wait3A_17 : memref<1x79x128xi32, #tpu.memory_space<hbm>> -> memref<79x128xi32, #tpu.memory_space<hbm>>
      %dma_wait3A_19 = arith.constant 0 : i32
      %dma_wait3A_20 = arith.constant 0 : i32
      %dma_wait3A_21 = tpu.memref_slice %arg4[%add3A, %dma_wait3A_19, %dma_wait3A_20] : memref<32x79x128xi32, #tpu.memory_space<hbm>> -> memref<1x79x128xi32, #tpu.memory_space<hbm>>
      %dma_wait3A_22 = tpu.memref_squeeze %dma_wait3A_21 : memref<1x79x128xi32, #tpu.memory_space<hbm>> -> memref<79x128xi32, #tpu.memory_space<hbm>>
      tpu.wait_dma2 semaphore(%run_scoped3A : memref<!tpu.dma_semaphore, #tpu.memory_space<semaphore_mem>>) src(%dma_wait3A_22 : memref<79x128xi32, #tpu.memory_space<hbm>>) dst(%arg9 : memref<79x128xi32, #tpu.memory_space<vmem>>)
      tpu.yield
    }) : () -> ()
    %barrier3A = arith.constant 0 : index
    tpu.barrier barrier_id(%barrier3A)
    %scan3A = arith.constant 0 : i32
    %scan3A_3 = arith.constant 0 : i32
    %scan3A_4 = arith.constant 79 : i32
    %scan3A_5 = arith.addi %scan3A_3, %scan3A_4 : i32
    %scan3A_6 = arith.constant 1 : i32
    scf.for %scan3A_9 = %scan3A_3 to %scan3A_5 step %scan3A_6  : i32 {
      %dma_start3A = arith.constant 0 : i32
      %dma_start3A_10 = tpu.memref_slice %arg8[%scan3A_9, %dma_start3A] : memref<79x128xi32, #tpu.memory_space<vmem>> -> memref<1x128xi32, #tpu.memory_space<vmem>>
      %dma_start3A_11 = tpu.memref_squeeze %dma_start3A_10 : memref<1x128xi32, #tpu.memory_space<vmem>> -> memref<128xi32, #tpu.memory_space<vmem>>
      %dma_start3A_12 = arith.constant 0 : i32
      %dma_start3A_13 = arith.constant 0 : i32
      %dma_start3A_14 = tpu.memref_slice %arg2[%dma_start3A_12, %dma_start3A_13] : memref<10000x128xf32, #tpu.memory_space<hbm>> -> memref<10000x128xf32, #tpu.memory_space<hbm>>
      tpu.enqueue_indirect_dma source(%dma_start3A_14 : memref<10000x128xf32, #tpu.memory_space<hbm>>) target(%arg10 : memref<128x128xf32, #tpu.memory_space<vmem>>) offsets(%dma_start3A_11 : memref<128xi32, #tpu.memory_space<vmem>>) semaphore(%arg11 : memref<!tpu.dma_semaphore, #tpu.memory_space<semaphore_mem>>)
      %dma_wait3A = arith.constant 0 : i32
      %dma_wait3A_15 = tpu.memref_slice %arg8[%scan3A_9, %dma_wait3A] : memref<79x128xi32, #tpu.memory_space<vmem>> -> memref<1x128xi32, #tpu.memory_space<vmem>>
      %dma_wait3A_16 = tpu.memref_squeeze %dma_wait3A_15 : memref<1x128xi32, #tpu.memory_space<vmem>> -> memref<128xi32, #tpu.memory_space<vmem>>
      %dma_wait3A_17 = arith.constant 0 : i32
      %dma_wait3A_18 = arith.constant 0 : i32
      %dma_wait3A_19 = tpu.memref_slice %arg2[%dma_wait3A_17, %dma_wait3A_18] : memref<10000x128xf32, #tpu.memory_space<hbm>> -> memref<10000x128xf32, #tpu.memory_space<hbm>>
      tpu.wait_indirect_dma semaphore(%arg11 : memref<!tpu.dma_semaphore, #tpu.memory_space<semaphore_mem>>) src(%dma_wait3A_19 : memref<10000x128xf32, #tpu.memory_space<hbm>>) dst(%arg10 : memref<128x128xf32, #tpu.memory_space<vmem>>)
      "tpu.region"() ({
        %run_scoped3A = tpu.sem_alloc : memref<!tpu.dma_semaphore, #tpu.memory_space<semaphore_mem>>
        %dma_start3A_20 = arith.constant 0 : i32
        %dma_start3A_21 = tpu.memref_slice %arg9[%scan3A_9, %dma_start3A_20] : memref<79x128xi32, #tpu.memory_space<vmem>> -> memref<1x128xi32, #tpu.memory_space<vmem>>
        %dma_start3A_22 = tpu.memref_squeeze %dma_start3A_21 : memref<1x128xi32, #tpu.memory_space<vmem>> -> memref<128xi32, #tpu.memory_space<vmem>>
        %dma_start3A_23 = arith.constant 0 : i32
        %dma_start3A_24 = arith.constant 0 : i32
        %dma_start3A_25 = tpu.memref_slice %arg7[%dma_start3A_23, %dma_start3A_24] : memref<10240x128xf32, #tpu.memory_space<vmem_shared>> -> memref<10240x128xf32, #tpu.memory_space<vmem_shared>>
        tpu.enqueue_indirect_dma source(%arg10 : memref<128x128xf32, #tpu.memory_space<vmem>>) target(%dma_start3A_25 : memref<10240x128xf32, #tpu.memory_space<vmem_shared>>) offsets(%dma_start3A_22 : memref<128xi32, #tpu.memory_space<vmem>>) semaphore(%run_scoped3A : memref<!tpu.dma_semaphore, #tpu.memory_space<semaphore_mem>>) {add = true}
        %dma_wait3A_26 = arith.constant 0 : i32
        %dma_wait3A_27 = tpu.memref_slice %arg9[%scan3A_9, %dma_wait3A_26] : memref<79x128xi32, #tpu.memory_space<vmem>> -> memref<1x128xi32, #tpu.memory_space<vmem>>
        %dma_wait3A_28 = tpu.memref_squeeze %dma_wait3A_27 : memref<1x128xi32, #tpu.memory_space<vmem>> -> memref<128xi32, #tpu.memory_space<vmem>>
        %dma_wait3A_29 = arith.constant 0 : i32
        %dma_wait3A_30 = arith.constant 0 : i32
        %dma_wait3A_31 = tpu.memref_slice %arg7[%dma_wait3A_29, %dma_wait3A_30] : memref<10240x128xf32, #tpu.memory_space<vmem_shared>> -> memref<10240x128xf32, #tpu.memory_space<vmem_shared>>
        tpu.wait_indirect_dma semaphore(%run_scoped3A : memref<!tpu.dma_semaphore, #tpu.memory_space<semaphore_mem>>) src(%arg10 : memref<128x128xf32, #tpu.memory_space<vmem>>) dst(%dma_wait3A_31 : memref<10240x128xf32, #tpu.memory_space<vmem_shared>>)
        tpu.yield
      }) : () -> ()
    }
    %scan3A_7 = arith.constant 79 : i32
    %barrier3A_8 = arith.constant 0 : index
    tpu.barrier barrier_id(%barrier3A_8)
    "tpu.region"() ({
      %run_scoped3A = tpu.sem_alloc : memref<!tpu.dma_semaphore, #tpu.memory_space<semaphore_mem>>
      %dma_start3A = arith.constant 0 : i32
      %dma_start3A_9 = tpu.memref_slice %arg6[%arg0, %mul3A_2, %dma_start3A] : memref<2x10240x128xf32, #tpu.memory_space<hbm>> -> memref<1x640x128xf32, #tpu.memory_space<hbm>>
      %dma_start3A_10 = tpu.memref_squeeze %dma_start3A_9 : memref<1x640x128xf32, #tpu.memory_space<hbm>> -> memref<640x128xf32, #tpu.memory_space<hbm>>
      %dma_start3A_11 = arith.constant 0 : i32
      %dma_start3A_12 = tpu.memref_slice %arg7[%mul3A_2, %dma_start3A_11] : memref<10240x128xf32, #tpu.memory_space<vmem_shared>> -> memref<640x128xf32, #tpu.memory_space<vmem_shared>>
      tpu.enqueue_dma source(%dma_start3A_12 : memref<640x128xf32, #tpu.memory_space<vmem_shared>>) target(%dma_start3A_10 : memref<640x128xf32, #tpu.memory_space<hbm>>) target_semaphore(%run_scoped3A : memref<!tpu.dma_semaphore, #tpu.memory_space<semaphore_mem>>)
      %dma_wait3A = arith.constant 0 : i32
      %dma_wait3A_13 = tpu.memref_slice %arg6[%arg0, %mul3A_2, %dma_wait3A] : memref<2x10240x128xf32, #tpu.memory_space<hbm>> -> memref<1x640x128xf32, #tpu.memory_space<hbm>>
      %dma_wait3A_14 = tpu.memref_squeeze %dma_wait3A_13 : memref<1x640x128xf32, #tpu.memory_space<hbm>> -> memref<640x128xf32, #tpu.memory_space<hbm>>
      %dma_wait3A_15 = arith.constant 0 : i32
      %dma_wait3A_16 = tpu.memref_slice %arg7[%mul3A_2, %dma_wait3A_15] : memref<10240x128xf32, #tpu.memory_space<vmem_shared>> -> memref<640x128xf32, #tpu.memory_space<vmem_shared>>
      tpu.wait_dma2 semaphore(%run_scoped3A : memref<!tpu.dma_semaphore, #tpu.memory_space<semaphore_mem>>) src(%dma_wait3A_16 : memref<640x128xf32, #tpu.memory_space<vmem_shared>>) dst(%dma_wait3A_14 : memref<640x128xf32, #tpu.memory_space<hbm>>)
      tpu.yield
    }) : () -> ()
    return
  }
}

#map = affine_map<(d0, d1) -> (0, 0)>
#map1 = affine_map<(d0, d1) -> (0, 0, 0)>
module attributes {stable_mosaic.version = 14 : i64} {
  func.func @sc_agg(%arg0: i32, %arg1: i32, %arg2: memref<10000x128xf32, #tpu.memory_space<hbm>>, %arg3: memref<32x79x128xi32, #tpu.memory_space<hbm>>, %arg4: memref<32x79x128xi32, #tpu.memory_space<hbm>>, %arg5: memref<10240x128xf32, #tpu.memory_space<hbm>>, %arg6: memref<2x10240x128xf32, #tpu.memory_space<hbm>>, %arg7: memref<10240x128xf32, #tpu.memory_space<vmem_shared>>, %arg8: memref<79x128xi32, #tpu.memory_space<vmem>>, %arg9: memref<79x128xi32, #tpu.memory_space<vmem>>, %arg10: memref<128x128xf32, #tpu.memory_space<vmem>>, %arg11: memref<!tpu.dma_semaphore, #tpu.memory_space<semaphore_mem>>) attributes {dimension_semantics = [#tpu.dimension_semantics<core_parallel>, #tpu.dimension_semantics<subcore_parallel>], iteration_bounds = array<i64: 2, 16>, scalar_prefetch = 0 : i64, scratch_operands = 5 : i64, tpu.core_type = #tpu.core_type<sc_vector_subcore>, window_params = [{transform_indices = #map}, {transform_indices = #map1}, {transform_indices = #map1}, {transform_indices = #map}, {transform_indices = #map1}]} {
    %mul3A = arith.constant 2 : i32
    %mul3A_0 = arith.muli %arg1, %mul3A : i32
    %add3A = arith.addi %mul3A_0, %arg0 : i32
    %mul3A_1 = arith.constant 640 : i32
    %mul3A_2 = arith.muli %arg1, %mul3A_1 : i32
    "tpu.region"() ({
      %run_scoped3A = tpu.sem_alloc : memref<!tpu.dma_semaphore, #tpu.memory_space<semaphore_mem>>
      %dma_start3A = arith.constant 0 : i32
      %dma_start3A_9 = tpu.memref_slice %arg7[%mul3A_2, %dma_start3A] : memref<10240x128xf32, #tpu.memory_space<vmem_shared>> -> memref<640x128xf32, #tpu.memory_space<vmem_shared>>
      %dma_start3A_10 = arith.constant 0 : i32
      %dma_start3A_11 = tpu.memref_slice %arg5[%mul3A_2, %dma_start3A_10] : memref<10240x128xf32, #tpu.memory_space<hbm>> -> memref<640x128xf32, #tpu.memory_space<hbm>>
      tpu.enqueue_dma source(%dma_start3A_11 : memref<640x128xf32, #tpu.memory_space<hbm>>) target(%dma_start3A_9 : memref<640x128xf32, #tpu.memory_space<vmem_shared>>) target_semaphore(%run_scoped3A : memref<!tpu.dma_semaphore, #tpu.memory_space<semaphore_mem>>)
      %dma_wait3A = arith.constant 0 : i32
      %dma_wait3A_12 = tpu.memref_slice %arg7[%mul3A_2, %dma_wait3A] : memref<10240x128xf32, #tpu.memory_space<vmem_shared>> -> memref<640x128xf32, #tpu.memory_space<vmem_shared>>
      %dma_wait3A_13 = arith.constant 0 : i32
      %dma_wait3A_14 = tpu.memref_slice %arg5[%mul3A_2, %dma_wait3A_13] : memref<10240x128xf32, #tpu.memory_space<hbm>> -> memref<640x128xf32, #tpu.memory_space<hbm>>
      tpu.wait_dma2 semaphore(%run_scoped3A : memref<!tpu.dma_semaphore, #tpu.memory_space<semaphore_mem>>) src(%dma_wait3A_14 : memref<640x128xf32, #tpu.memory_space<hbm>>) dst(%dma_wait3A_12 : memref<640x128xf32, #tpu.memory_space<vmem_shared>>)
      tpu.yield
    }) : () -> ()
    "tpu.region"() ({
      %run_scoped3A = tpu.sem_alloc : memref<!tpu.dma_semaphore, #tpu.memory_space<semaphore_mem>>
      %dma_start3A = arith.constant 0 : i32
      %dma_start3A_9 = arith.constant 0 : i32
      %dma_start3A_10 = tpu.memref_slice %arg3[%add3A, %dma_start3A, %dma_start3A_9] : memref<32x79x128xi32, #tpu.memory_space<hbm>> -> memref<1x79x128xi32, #tpu.memory_space<hbm>>
      %dma_start3A_11 = tpu.memref_squeeze %dma_start3A_10 : memref<1x79x128xi32, #tpu.memory_space<hbm>> -> memref<79x128xi32, #tpu.memory_space<hbm>>
      %dma_start3A_12 = arith.constant 0 : i32
      %dma_start3A_13 = arith.constant 0 : i32
      %dma_start3A_14 = tpu.memref_slice %arg3[%add3A, %dma_start3A_12, %dma_start3A_13] : memref<32x79x128xi32, #tpu.memory_space<hbm>> -> memref<1x79x128xi32, #tpu.memory_space<hbm>>
      %dma_start3A_15 = tpu.memref_squeeze %dma_start3A_14 : memref<1x79x128xi32, #tpu.memory_space<hbm>> -> memref<79x128xi32, #tpu.memory_space<hbm>>
      tpu.enqueue_dma source(%dma_start3A_15 : memref<79x128xi32, #tpu.memory_space<hbm>>) target(%arg8 : memref<79x128xi32, #tpu.memory_space<vmem>>) target_semaphore(%run_scoped3A : memref<!tpu.dma_semaphore, #tpu.memory_space<semaphore_mem>>)
      %dma_wait3A = arith.constant 0 : i32
      %dma_wait3A_16 = arith.constant 0 : i32
      %dma_wait3A_17 = tpu.memref_slice %arg3[%add3A, %dma_wait3A, %dma_wait3A_16] : memref<32x79x128xi32, #tpu.memory_space<hbm>> -> memref<1x79x128xi32, #tpu.memory_space<hbm>>
      %dma_wait3A_18 = tpu.memref_squeeze %dma_wait3A_17 : memref<1x79x128xi32, #tpu.memory_space<hbm>> -> memref<79x128xi32, #tpu.memory_space<hbm>>
      %dma_wait3A_19 = arith.constant 0 : i32
      %dma_wait3A_20 = arith.constant 0 : i32
      %dma_wait3A_21 = tpu.memref_slice %arg3[%add3A, %dma_wait3A_19, %dma_wait3A_20] : memref<32x79x128xi32, #tpu.memory_space<hbm>> -> memref<1x79x128xi32, #tpu.memory_space<hbm>>
      %dma_wait3A_22 = tpu.memref_squeeze %dma_wait3A_21 : memref<1x79x128xi32, #tpu.memory_space<hbm>> -> memref<79x128xi32, #tpu.memory_space<hbm>>
      tpu.wait_dma2 semaphore(%run_scoped3A : memref<!tpu.dma_semaphore, #tpu.memory_space<semaphore_mem>>) src(%dma_wait3A_22 : memref<79x128xi32, #tpu.memory_space<hbm>>) dst(%arg8 : memref<79x128xi32, #tpu.memory_space<vmem>>)
      tpu.yield
    }) : () -> ()
    "tpu.region"() ({
      %run_scoped3A = tpu.sem_alloc : memref<!tpu.dma_semaphore, #tpu.memory_space<semaphore_mem>>
      %dma_start3A = arith.constant 0 : i32
      %dma_start3A_9 = arith.constant 0 : i32
      %dma_start3A_10 = tpu.memref_slice %arg4[%add3A, %dma_start3A, %dma_start3A_9] : memref<32x79x128xi32, #tpu.memory_space<hbm>> -> memref<1x79x128xi32, #tpu.memory_space<hbm>>
      %dma_start3A_11 = tpu.memref_squeeze %dma_start3A_10 : memref<1x79x128xi32, #tpu.memory_space<hbm>> -> memref<79x128xi32, #tpu.memory_space<hbm>>
      %dma_start3A_12 = arith.constant 0 : i32
      %dma_start3A_13 = arith.constant 0 : i32
      %dma_start3A_14 = tpu.memref_slice %arg4[%add3A, %dma_start3A_12, %dma_start3A_13] : memref<32x79x128xi32, #tpu.memory_space<hbm>> -> memref<1x79x128xi32, #tpu.memory_space<hbm>>
      %dma_start3A_15 = tpu.memref_squeeze %dma_start3A_14 : memref<1x79x128xi32, #tpu.memory_space<hbm>> -> memref<79x128xi32, #tpu.memory_space<hbm>>
      tpu.enqueue_dma source(%dma_start3A_15 : memref<79x128xi32, #tpu.memory_space<hbm>>) target(%arg9 : memref<79x128xi32, #tpu.memory_space<vmem>>) target_semaphore(%run_scoped3A : memref<!tpu.dma_semaphore, #tpu.memory_space<semaphore_mem>>)
      %dma_wait3A = arith.constant 0 : i32
      %dma_wait3A_16 = arith.constant 0 : i32
      %dma_wait3A_17 = tpu.memref_slice %arg4[%add3A, %dma_wait3A, %dma_wait3A_16] : memref<32x79x128xi32, #tpu.memory_space<hbm>> -> memref<1x79x128xi32, #tpu.memory_space<hbm>>
      %dma_wait3A_18 = tpu.memref_squeeze %dma_wait3A_17 : memref<1x79x128xi32, #tpu.memory_space<hbm>> -> memref<79x128xi32, #tpu.memory_space<hbm>>
      %dma_wait3A_19 = arith.constant 0 : i32
      %dma_wait3A_20 = arith.constant 0 : i32
      %dma_wait3A_21 = tpu.memref_slice %arg4[%add3A, %dma_wait3A_19, %dma_wait3A_20] : memref<32x79x128xi32, #tpu.memory_space<hbm>> -> memref<1x79x128xi32, #tpu.memory_space<hbm>>
      %dma_wait3A_22 = tpu.memref_squeeze %dma_wait3A_21 : memref<1x79x128xi32, #tpu.memory_space<hbm>> -> memref<79x128xi32, #tpu.memory_space<hbm>>
      tpu.wait_dma2 semaphore(%run_scoped3A : memref<!tpu.dma_semaphore, #tpu.memory_space<semaphore_mem>>) src(%dma_wait3A_22 : memref<79x128xi32, #tpu.memory_space<hbm>>) dst(%arg9 : memref<79x128xi32, #tpu.memory_space<vmem>>)
      tpu.yield
    }) : () -> ()
    %barrier3A = arith.constant 0 : index
    tpu.barrier barrier_id(%barrier3A)
    %scan3A = arith.constant 0 : i32
    %scan3A_3 = arith.constant 0 : i32
    %scan3A_4 = arith.constant 79 : i32
    %scan3A_5 = arith.addi %scan3A_3, %scan3A_4 : i32
    %scan3A_6 = arith.constant 1 : i32
    scf.for %scan3A_9 = %scan3A_3 to %scan3A_5 step %scan3A_6  : i32 {
      %dma_start3A = arith.constant 0 : i32
      %dma_start3A_10 = tpu.memref_slice %arg8[%scan3A_9, %dma_start3A] : memref<79x128xi32, #tpu.memory_space<vmem>> -> memref<1x128xi32, #tpu.memory_space<vmem>>
      %dma_start3A_11 = tpu.memref_squeeze %dma_start3A_10 : memref<1x128xi32, #tpu.memory_space<vmem>> -> memref<128xi32, #tpu.memory_space<vmem>>
      %dma_start3A_12 = arith.constant 0 : i32
      %dma_start3A_13 = arith.constant 0 : i32
      %dma_start3A_14 = tpu.memref_slice %arg2[%dma_start3A_12, %dma_start3A_13] : memref<10000x128xf32, #tpu.memory_space<hbm>> -> memref<10000x128xf32, #tpu.memory_space<hbm>>
      tpu.enqueue_indirect_dma source(%dma_start3A_14 : memref<10000x128xf32, #tpu.memory_space<hbm>>) target(%arg10 : memref<128x128xf32, #tpu.memory_space<vmem>>) offsets(%dma_start3A_11 : memref<128xi32, #tpu.memory_space<vmem>>) semaphore(%arg11 : memref<!tpu.dma_semaphore, #tpu.memory_space<semaphore_mem>>)
      %dma_wait3A = arith.constant 0 : i32
      %dma_wait3A_15 = tpu.memref_slice %arg8[%scan3A_9, %dma_wait3A] : memref<79x128xi32, #tpu.memory_space<vmem>> -> memref<1x128xi32, #tpu.memory_space<vmem>>
      %dma_wait3A_16 = tpu.memref_squeeze %dma_wait3A_15 : memref<1x128xi32, #tpu.memory_space<vmem>> -> memref<128xi32, #tpu.memory_space<vmem>>
      %dma_wait3A_17 = arith.constant 0 : i32
      %dma_wait3A_18 = arith.constant 0 : i32
      %dma_wait3A_19 = tpu.memref_slice %arg2[%dma_wait3A_17, %dma_wait3A_18] : memref<10000x128xf32, #tpu.memory_space<hbm>> -> memref<10000x128xf32, #tpu.memory_space<hbm>>
      tpu.wait_indirect_dma semaphore(%arg11 : memref<!tpu.dma_semaphore, #tpu.memory_space<semaphore_mem>>) src(%dma_wait3A_19 : memref<10000x128xf32, #tpu.memory_space<hbm>>) dst(%arg10 : memref<128x128xf32, #tpu.memory_space<vmem>>)
      "tpu.region"() ({
        %run_scoped3A = tpu.sem_alloc : memref<!tpu.dma_semaphore, #tpu.memory_space<semaphore_mem>>
        %dma_start3A_20 = arith.constant 0 : i32
        %dma_start3A_21 = tpu.memref_slice %arg9[%scan3A_9, %dma_start3A_20] : memref<79x128xi32, #tpu.memory_space<vmem>> -> memref<1x128xi32, #tpu.memory_space<vmem>>
        %dma_start3A_22 = tpu.memref_squeeze %dma_start3A_21 : memref<1x128xi32, #tpu.memory_space<vmem>> -> memref<128xi32, #tpu.memory_space<vmem>>
        %dma_start3A_23 = arith.constant 0 : i32
        %dma_start3A_24 = arith.constant 0 : i32
        %dma_start3A_25 = tpu.memref_slice %arg7[%dma_start3A_23, %dma_start3A_24] : memref<10240x128xf32, #tpu.memory_space<vmem_shared>> -> memref<10240x128xf32, #tpu.memory_space<vmem_shared>>
        tpu.enqueue_indirect_dma source(%arg10 : memref<128x128xf32, #tpu.memory_space<vmem>>) target(%dma_start3A_25 : memref<10240x128xf32, #tpu.memory_space<vmem_shared>>) offsets(%dma_start3A_22 : memref<128xi32, #tpu.memory_space<vmem>>) semaphore(%run_scoped3A : memref<!tpu.dma_semaphore, #tpu.memory_space<semaphore_mem>>) {add = true}
        %dma_wait3A_26 = arith.constant 0 : i32
        %dma_wait3A_27 = tpu.memref_slice %arg9[%scan3A_9, %dma_wait3A_26] : memref<79x128xi32, #tpu.memory_space<vmem>> -> memref<1x128xi32, #tpu.memory_space<vmem>>
        %dma_wait3A_28 = tpu.memref_squeeze %dma_wait3A_27 : memref<1x128xi32, #tpu.memory_space<vmem>> -> memref<128xi32, #tpu.memory_space<vmem>>
        %dma_wait3A_29 = arith.constant 0 : i32
        %dma_wait3A_30 = arith.constant 0 : i32
        %dma_wait3A_31 = tpu.memref_slice %arg7[%dma_wait3A_29, %dma_wait3A_30] : memref<10240x128xf32, #tpu.memory_space<vmem_shared>> -> memref<10240x128xf32, #tpu.memory_space<vmem_shared>>
        tpu.wait_indirect_dma semaphore(%run_scoped3A : memref<!tpu.dma_semaphore, #tpu.memory_space<semaphore_mem>>) src(%arg10 : memref<128x128xf32, #tpu.memory_space<vmem>>) dst(%dma_wait3A_31 : memref<10240x128xf32, #tpu.memory_space<vmem_shared>>)
        tpu.yield
      }) : () -> ()
    }
    %scan3A_7 = arith.constant 79 : i32
    %barrier3A_8 = arith.constant 0 : index
    tpu.barrier barrier_id(%barrier3A_8)
    "tpu.region"() ({
      %run_scoped3A = tpu.sem_alloc : memref<!tpu.dma_semaphore, #tpu.memory_space<semaphore_mem>>
      %dma_start3A = arith.constant 0 : i32
      %dma_start3A_9 = tpu.memref_slice %arg6[%arg0, %mul3A_2, %dma_start3A] : memref<2x10240x128xf32, #tpu.memory_space<hbm>> -> memref<1x640x128xf32, #tpu.memory_space<hbm>>
      %dma_start3A_10 = tpu.memref_squeeze %dma_start3A_9 : memref<1x640x128xf32, #tpu.memory_space<hbm>> -> memref<640x128xf32, #tpu.memory_space<hbm>>
      %dma_start3A_11 = arith.constant 0 : i32
      %dma_start3A_12 = tpu.memref_slice %arg7[%mul3A_2, %dma_start3A_11] : memref<10240x128xf32, #tpu.memory_space<vmem_shared>> -> memref<640x128xf32, #tpu.memory_space<vmem_shared>>
      tpu.enqueue_dma source(%dma_start3A_12 : memref<640x128xf32, #tpu.memory_space<vmem_shared>>) target(%dma_start3A_10 : memref<640x128xf32, #tpu.memory_space<hbm>>) target_semaphore(%run_scoped3A : memref<!tpu.dma_semaphore, #tpu.memory_space<semaphore_mem>>)
      %dma_wait3A = arith.constant 0 : i32
      %dma_wait3A_13 = tpu.memref_slice %arg6[%arg0, %mul3A_2, %dma_wait3A] : memref<2x10240x128xf32, #tpu.memory_space<hbm>> -> memref<1x640x128xf32, #tpu.memory_space<hbm>>
      %dma_wait3A_14 = tpu.memref_squeeze %dma_wait3A_13 : memref<1x640x128xf32, #tpu.memory_space<hbm>> -> memref<640x128xf32, #tpu.memory_space<hbm>>
      %dma_wait3A_15 = arith.constant 0 : i32
      %dma_wait3A_16 = tpu.memref_slice %arg7[%mul3A_2, %dma_wait3A_15] : memref<10240x128xf32, #tpu.memory_space<vmem_shared>> -> memref<640x128xf32, #tpu.memory_space<vmem_shared>>
      tpu.wait_dma2 semaphore(%run_scoped3A : memref<!tpu.dma_semaphore, #tpu.memory_space<semaphore_mem>>) src(%dma_wait3A_16 : memref<640x128xf32, #tpu.memory_space<vmem_shared>>) dst(%dma_wait3A_14 : memref<640x128xf32, #tpu.memory_space<hbm>>)
      tpu.yield
    }) : () -> ()
    return
  }
}

module attributes {stable_mosaic.version = 14 : i64} {
  func.func @_tc_pre_body(%arg0: i32, %arg1: memref<1024x128xf32, #tpu.memory_space<vmem>>, %arg2: memref<128x128xf32, #tpu.memory_space<vmem>>, %arg3: memref<128x128xf32, #tpu.memory_space<vmem>>, %arg4: memref<1x128xf32, #tpu.memory_space<vmem>>, %arg5: memref<1024x128xf32, #tpu.memory_space<vmem>>, %arg6: memref<1024x128xf32, #tpu.memory_space<vmem>>) attributes {dimension_semantics = [#tpu.dimension_semantics<arbitrary>], iteration_bounds = array<i64: 10>, scalar_prefetch = 0 : i64, scratch_operands = 0 : i64, tpu.core_type = #tpu.core_type<tc>, window_params = [{transform_indices = @transform_0, window_bounds = array<i64: 1024, 128>}, {pipeline_mode = #tpu.pipeline_mode<synchronous>, transform_indices = @transform_1, window_bounds = array<i64: 128, 128>}, {pipeline_mode = #tpu.pipeline_mode<synchronous>, transform_indices = @transform_2, window_bounds = array<i64: 128, 128>}, {pipeline_mode = #tpu.pipeline_mode<synchronous>, transform_indices = @transform_3, window_bounds = array<i64: 1, 128>}, {transform_indices = @transform_4, window_bounds = array<i64: 1024, 128>}, {transform_indices = @transform_5, window_bounds = array<i64: 1024, 128>}]} {
    %get3A = arith.constant 0 : index
    %get3A_0 = arith.constant 0 : index
    %get3A_1 = vector.load %arg1[%get3A, %get3A_0] : memref<1024x128xf32, #tpu.memory_space<vmem>>, vector<1024x128xf32>
    %get3A_2 = arith.constant 0 : index
    %get3A_3 = arith.constant 0 : index
    %get3A_4 = vector.load %arg2[%get3A_2, %get3A_3] : memref<128x128xf32, #tpu.memory_space<vmem>>, vector<128x128xf32>
    %dot_general3A = arith.constant dense<0.000000e+00> : vector<1024x128xf32>
    %dot_general3A_5 = tpu.matmul %get3A_1, %get3A_4, %dot_general3A {dimension_numbers = #tpu.dot_dimension_numbers<[1], [1], [0], [0], [0, 0, 1, 0], [], []>, transpose_lhs_hint = false} : vector<1024x128xf32>, vector<128x128xf32>, vector<1024x128xf32> -> vector<1024x128xf32>
    %swap3A = arith.constant 0 : index
    %swap3A_6 = arith.constant 0 : index
    %swap3A_7 = vector.load %arg5[%swap3A, %swap3A_6] : memref<1024x128xf32, #tpu.memory_space<vmem>>, vector<1024x128xf32>
    tpu.vector_store %arg5[%swap3A, %swap3A_6], %dot_general3A_5 {strides = array<i32>} : memref<1024x128xf32, #tpu.memory_space<vmem>>, vector<1024x128xf32>,
    %get3A_8 = arith.constant 0 : index
    %get3A_9 = arith.constant 0 : index
    %get3A_10 = vector.load %arg3[%get3A_8, %get3A_9] : memref<128x128xf32, #tpu.memory_space<vmem>>, vector<128x128xf32>
    %dot_general3A_11 = arith.constant dense<0.000000e+00> : vector<1024x128xf32>
    %dot_general3A_12 = tpu.matmul %get3A_1, %get3A_10, %dot_general3A_11 {dimension_numbers = #tpu.dot_dimension_numbers<[1], [1], [0], [0], [0, 0, 1, 0], [], []>, transpose_lhs_hint = false} : vector<1024x128xf32>, vector<128x128xf32>, vector<1024x128xf32> -> vector<1024x128xf32>
    %get3A_13 = arith.constant 0 : index
    %get3A_14 = arith.constant 0 : index
    %get3A_15 = vector.load %arg4[%get3A_13, %get3A_14] : memref<1x128xf32, #tpu.memory_space<vmem>>, vector<1x128xf32>
    %add3A = vector.broadcast %get3A_15 : vector<1x128xf32> to vector<1024x128xf32>
    %add3A_16 = arith.addf %dot_general3A_12, %add3A : vector<1024x128xf32>
    %swap3A_17 = arith.constant 0 : index
    %swap3A_18 = arith.constant 0 : index
    %swap3A_19 = vector.load %arg6[%swap3A_17, %swap3A_18] : memref<1024x128xf32, #tpu.memory_space<vmem>>, vector<1024x128xf32>
    tpu.vector_store %arg6[%swap3A_17, %swap3A_18], %add3A_16 {strides = array<i32>} : memref<1024x128xf32, #tpu.memory_space<vmem>>, vector<1024x128xf32>,
    return
  }
  func.func @transform_0(%arg0: i32) -> (i32, i32) {
    %c0_i32 = arith.constant 0 : i32
    %c0_i32_0 = arith.constant 0 : i32
    return %arg0, %c0_i32 : i32, i32
  }
  func.func @transform_1(%arg0: i32) -> (i32, i32) {
    %c0_i32 = arith.constant 0 : i32
    %c0_i32_0 = arith.constant 0 : i32
    %c0_i32_1 = arith.constant 0 : i32
    return %c0_i32, %c0_i32_0 : i32, i32
  }
  func.func @transform_2(%arg0: i32) -> (i32, i32) {
    %c0_i32 = arith.constant 0 : i32
    %c0_i32_0 = arith.constant 0 : i32
    %c0_i32_1 = arith.constant 0 : i32
    return %c0_i32, %c0_i32_0 : i32, i32
  }
  func.func @transform_3(%arg0: i32) -> (i32, i32) {
    %c0_i32 = arith.constant 0 : i32
    %c0_i32_0 = arith.constant 0 : i32
    %c0_i32_1 = arith.constant 0 : i32
    return %c0_i32, %c0_i32_0 : i32, i32
  }
  func.func @transform_4(%arg0: i32) -> (i32, i32) {
    %c0_i32 = arith.constant 0 : i32
    %c0_i32_0 = arith.constant 0 : i32
    return %arg0, %c0_i32 : i32, i32
  }
  func.func @transform_5(%arg0: i32) -> (i32, i32) {
    %c0_i32 = arith.constant 0 : i32
    %c0_i32_0 = arith.constant 0 : i32
    return %arg0, %c0_i32 : i32, i32
  }
}

module attributes {stable_mosaic.version = 14 : i64} {
  func.func @_tc_mid_body(%arg0: i32, %arg1: memref<2x1024x128xf32, #tpu.memory_space<vmem>>, %arg2: memref<2x1024x128xf32, #tpu.memory_space<vmem>>, %arg3: memref<1024x128xf32, #tpu.memory_space<vmem>>, %arg4: memref<128x128xf32, #tpu.memory_space<vmem>>, %arg5: memref<128x128xf32, #tpu.memory_space<vmem>>, %arg6: memref<1x128xf32, #tpu.memory_space<vmem>>, %arg7: memref<1024x128xf32, #tpu.memory_space<vmem>>, %arg8: memref<1024x128xf32, #tpu.memory_space<vmem>>) attributes {dimension_semantics = [#tpu.dimension_semantics<arbitrary>], iteration_bounds = array<i64: 10>, scalar_prefetch = 0 : i64, scratch_operands = 0 : i64, tpu.core_type = #tpu.core_type<tc>, window_params = [{transform_indices = @transform_0, window_bounds = array<i64: 2, 1024, 128>}, {transform_indices = @transform_1, window_bounds = array<i64: 2, 1024, 128>}, {transform_indices = @transform_2, window_bounds = array<i64: 1024, 128>}, {pipeline_mode = #tpu.pipeline_mode<synchronous>, transform_indices = @transform_3, window_bounds = array<i64: 128, 128>}, {pipeline_mode = #tpu.pipeline_mode<synchronous>, transform_indices = @transform_4, window_bounds = array<i64: 128, 128>}, {pipeline_mode = #tpu.pipeline_mode<synchronous>, transform_indices = @transform_5, window_bounds = array<i64: 1, 128>}, {transform_indices = @transform_6, window_bounds = array<i64: 1024, 128>}, {transform_indices = @transform_7, window_bounds = array<i64: 1024, 128>}]} {
    %get3A = arith.constant 0 : index
    %get3A_0 = arith.constant 0 : index
    %get3A_1 = arith.constant 0 : index
    %get3A_2 = vector.load %arg2[%get3A, %get3A_0, %get3A_1] : memref<2x1024x128xf32, #tpu.memory_space<vmem>>, vector<2x1024x128xf32>
    %slice3A = vector.extract_strided_slice %get3A_2 {offsets = [0, 0, 0], sizes = [1, 1024, 1], strides = [1, 1, 1]} : vector<2x1024x128xf32> to vector<1x1024x1xf32>
    %squeeze3A = vector.shape_cast %slice3A : vector<1x1024x1xf32> to vector<1024x1xf32>
    %slice3A_3 = vector.extract_strided_slice %get3A_2 {offsets = [1, 0, 0], sizes = [1, 1024, 1], strides = [1, 1, 1]} : vector<2x1024x128xf32> to vector<1x1024x1xf32>
    %squeeze3A_4 = vector.shape_cast %slice3A_3 : vector<1x1024x1xf32> to vector<1024x1xf32>
    %add3A = arith.addf %squeeze3A, %squeeze3A_4 : vector<1024x1xf32>
    %max3A = arith.constant 1.000000e+00 : f32
    %max3A_5 = vector.broadcast %max3A : f32 to vector<1024x1xf32>
    %max3A_6 = arith.maximumf %add3A, %max3A_5 : vector<1024x1xf32>
    %div3A = arith.constant 1.000000e+00 : f32
    %div3A_7 = vector.broadcast %div3A : f32 to vector<1024x1xf32>
    %div3A_8 = arith.divf %div3A_7, %max3A_6 : vector<1024x1xf32>
    %get3A_9 = arith.constant 0 : index
    %get3A_10 = arith.constant 0 : index
    %get3A_11 = arith.constant 0 : index
    %get3A_12 = vector.load %arg1[%get3A_9, %get3A_10, %get3A_11] : memref<2x1024x128xf32, #tpu.memory_space<vmem>>, vector<1x1024x128xf32>
    %get3A_13 = vector.shape_cast %get3A_12 : vector<1x1024x128xf32> to vector<1024x128xf32>
    %get3A_14 = arith.constant 1 : index
    %get3A_15 = arith.constant 0 : index
    %get3A_16 = arith.constant 0 : index
    %get3A_17 = vector.load %arg1[%get3A_14, %get3A_15, %get3A_16] : memref<2x1024x128xf32, #tpu.memory_space<vmem>>, vector<1x1024x128xf32>
    %get3A_18 = vector.shape_cast %get3A_17 : vector<1x1024x128xf32> to vector<1024x128xf32>
    %add3A_19 = arith.addf %get3A_13, %get3A_18 : vector<1024x128xf32>
    %mul3A = vector.broadcast %div3A_8 : vector<1024x1xf32> to vector<1024x128xf32>
    %mul3A_20 = arith.mulf %add3A_19, %mul3A : vector<1024x128xf32>
    %get3A_21 = arith.constant 0 : index
    %get3A_22 = arith.constant 0 : index
    %get3A_23 = vector.load %arg3[%get3A_21, %get3A_22] : memref<1024x128xf32, #tpu.memory_space<vmem>>, vector<1024x128xf32>
    %add3A_24 = arith.addf %mul3A_20, %get3A_23 : vector<1024x128xf32>
    %max3A_25 = arith.constant 0.000000e+00 : f32
    %max3A_26 = vector.broadcast %max3A_25 : f32 to vector<1024x128xf32>
    %max3A_27 = arith.maximumf %add3A_24, %max3A_26 : vector<1024x128xf32>
    %get3A_28 = arith.constant 0 : index
    %get3A_29 = arith.constant 0 : index
    %get3A_30 = vector.load %arg4[%get3A_28, %get3A_29] : memref<128x128xf32, #tpu.memory_space<vmem>>, vector<128x128xf32>
    %dot_general3A = arith.constant dense<0.000000e+00> : vector<1024x128xf32>
    %dot_general3A_31 = tpu.matmul %max3A_27, %get3A_30, %dot_general3A {dimension_numbers = #tpu.dot_dimension_numbers<[1], [1], [0], [0], [0, 0, 1, 0], [], []>, transpose_lhs_hint = false} : vector<1024x128xf32>, vector<128x128xf32>, vector<1024x128xf32> -> vector<1024x128xf32>
    %swap3A = arith.constant 0 : index
    %swap3A_32 = arith.constant 0 : index
    %swap3A_33 = vector.load %arg7[%swap3A, %swap3A_32] : memref<1024x128xf32, #tpu.memory_space<vmem>>, vector<1024x128xf32>
    tpu.vector_store %arg7[%swap3A, %swap3A_32], %dot_general3A_31 {strides = array<i32>} : memref<1024x128xf32, #tpu.memory_space<vmem>>, vector<1024x128xf32>,
    %get3A_34 = arith.constant 0 : index
    %get3A_35 = arith.constant 0 : index
    %get3A_36 = vector.load %arg5[%get3A_34, %get3A_35] : memref<128x128xf32, #tpu.memory_space<vmem>>, vector<128x128xf32>
    %dot_general3A_37 = arith.constant dense<0.000000e+00> : vector<1024x128xf32>
    %dot_general3A_38 = tpu.matmul %max3A_27, %get3A_36, %dot_general3A_37 {dimension_numbers = #tpu.dot_dimension_numbers<[1], [1], [0], [0], [0, 0, 1, 0], [], []>, transpose_lhs_hint = false} : vector<1024x128xf32>, vector<128x128xf32>, vector<1024x128xf32> -> vector<1024x128xf32>
    %get3A_39 = arith.constant 0 : index
    %get3A_40 = arith.constant 0 : index
    %get3A_41 = vector.load %arg6[%get3A_39, %get3A_40] : memref<1x128xf32, #tpu.memory_space<vmem>>, vector<1x128xf32>
    %add3A_42 = vector.broadcast %get3A_41 : vector<1x128xf32> to vector<1024x128xf32>
    %add3A_43 = arith.addf %dot_general3A_38, %add3A_42 : vector<1024x128xf32>
    %swap3A_44 = arith.constant 0 : index
    %swap3A_45 = arith.constant 0 : index
    %swap3A_46 = vector.load %arg8[%swap3A_44, %swap3A_45] : memref<1024x128xf32, #tpu.memory_space<vmem>>, vector<1024x128xf32>
    tpu.vector_store %arg8[%swap3A_44, %swap3A_45], %add3A_43 {strides = array<i32>} : memref<1024x128xf32, #tpu.memory_space<vmem>>, vector<1024x128xf32>,
    return
  }
  func.func @transform_0(%arg0: i32) -> (i32, i32, i32) {
    %c0_i32 = arith.constant 0 : i32
    %c0_i32_0 = arith.constant 0 : i32
    %c0_i32_1 = arith.constant 0 : i32
    return %c0_i32, %arg0, %c0_i32_0 : i32, i32, i32
  }
  func.func @transform_1(%arg0: i32) -> (i32, i32, i32) {
    %c0_i32 = arith.constant 0 : i32
    %c0_i32_0 = arith.constant 0 : i32
    %c0_i32_1 = arith.constant 0 : i32
    return %c0_i32, %arg0, %c0_i32_0 : i32, i32, i32
  }
  func.func @transform_2(%arg0: i32) -> (i32, i32) {
    %c0_i32 = arith.constant 0 : i32
    %c0_i32_0 = arith.constant 0 : i32
    return %arg0, %c0_i32 : i32, i32
  }
  func.func @transform_3(%arg0: i32) -> (i32, i32) {
    %c0_i32 = arith.constant 0 : i32
    %c0_i32_0 = arith.constant 0 : i32
    %c0_i32_1 = arith.constant 0 : i32
    return %c0_i32, %c0_i32_0 : i32, i32
  }
  func.func @transform_4(%arg0: i32) -> (i32, i32) {
    %c0_i32 = arith.constant 0 : i32
    %c0_i32_0 = arith.constant 0 : i32
    %c0_i32_1 = arith.constant 0 : i32
    return %c0_i32, %c0_i32_0 : i32, i32
  }
  func.func @transform_5(%arg0: i32) -> (i32, i32) {
    %c0_i32 = arith.constant 0 : i32
    %c0_i32_0 = arith.constant 0 : i32
    %c0_i32_1 = arith.constant 0 : i32
    return %c0_i32, %c0_i32_0 : i32, i32
  }
  func.func @transform_6(%arg0: i32) -> (i32, i32) {
    %c0_i32 = arith.constant 0 : i32
    %c0_i32_0 = arith.constant 0 : i32
    return %arg0, %c0_i32 : i32, i32
  }
  func.func @transform_7(%arg0: i32) -> (i32, i32) {
    %c0_i32 = arith.constant 0 : i32
    %c0_i32_0 = arith.constant 0 : i32
    return %arg0, %c0_i32 : i32, i32
  }
}

module attributes {stable_mosaic.version = 14 : i64} {
  func.func @_tc_fin_body(%arg0: i32, %arg1: memref<2x1024x128xf32, #tpu.memory_space<vmem>>, %arg2: memref<2x1024x128xf32, #tpu.memory_space<vmem>>, %arg3: memref<1024x128xf32, #tpu.memory_space<vmem>>, %arg4: memref<1024x128xf32, #tpu.memory_space<vmem>>) attributes {dimension_semantics = [#tpu.dimension_semantics<arbitrary>], iteration_bounds = array<i64: 10>, scalar_prefetch = 0 : i64, scratch_operands = 0 : i64, tpu.core_type = #tpu.core_type<tc>, window_params = [{transform_indices = @transform_0, window_bounds = array<i64: 2, 1024, 128>}, {transform_indices = @transform_1, window_bounds = array<i64: 2, 1024, 128>}, {transform_indices = @transform_2, window_bounds = array<i64: 1024, 128>}, {transform_indices = @transform_3, window_bounds = array<i64: 1024, 128>}]} {
    %get3A = arith.constant 0 : index
    %get3A_0 = arith.constant 0 : index
    %get3A_1 = arith.constant 0 : index
    %get3A_2 = vector.load %arg2[%get3A, %get3A_0, %get3A_1] : memref<2x1024x128xf32, #tpu.memory_space<vmem>>, vector<2x1024x128xf32>
    %slice3A = vector.extract_strided_slice %get3A_2 {offsets = [0, 0, 0], sizes = [1, 1024, 1], strides = [1, 1, 1]} : vector<2x1024x128xf32> to vector<1x1024x1xf32>
    %squeeze3A = vector.shape_cast %slice3A : vector<1x1024x1xf32> to vector<1024x1xf32>
    %slice3A_3 = vector.extract_strided_slice %get3A_2 {offsets = [1, 0, 0], sizes = [1, 1024, 1], strides = [1, 1, 1]} : vector<2x1024x128xf32> to vector<1x1024x1xf32>
    %squeeze3A_4 = vector.shape_cast %slice3A_3 : vector<1x1024x1xf32> to vector<1024x1xf32>
    %add3A = arith.addf %squeeze3A, %squeeze3A_4 : vector<1024x1xf32>
    %max3A = arith.constant 1.000000e+00 : f32
    %max3A_5 = vector.broadcast %max3A : f32 to vector<1024x1xf32>
    %max3A_6 = arith.maximumf %add3A, %max3A_5 : vector<1024x1xf32>
    %div3A = arith.constant 1.000000e+00 : f32
    %div3A_7 = vector.broadcast %div3A : f32 to vector<1024x1xf32>
    %div3A_8 = arith.divf %div3A_7, %max3A_6 : vector<1024x1xf32>
    %get3A_9 = arith.constant 0 : index
    %get3A_10 = arith.constant 0 : index
    %get3A_11 = arith.constant 0 : index
    %get3A_12 = vector.load %arg1[%get3A_9, %get3A_10, %get3A_11] : memref<2x1024x128xf32, #tpu.memory_space<vmem>>, vector<1x1024x128xf32>
    %get3A_13 = vector.shape_cast %get3A_12 : vector<1x1024x128xf32> to vector<1024x128xf32>
    %get3A_14 = arith.constant 1 : index
    %get3A_15 = arith.constant 0 : index
    %get3A_16 = arith.constant 0 : index
    %get3A_17 = vector.load %arg1[%get3A_14, %get3A_15, %get3A_16] : memref<2x1024x128xf32, #tpu.memory_space<vmem>>, vector<1x1024x128xf32>
    %get3A_18 = vector.shape_cast %get3A_17 : vector<1x1024x128xf32> to vector<1024x128xf32>
    %add3A_19 = arith.addf %get3A_13, %get3A_18 : vector<1024x128xf32>
    %mul3A = vector.broadcast %div3A_8 : vector<1024x1xf32> to vector<1024x128xf32>
    %mul3A_20 = arith.mulf %add3A_19, %mul3A : vector<1024x128xf32>
    %get3A_21 = arith.constant 0 : index
    %get3A_22 = arith.constant 0 : index
    %get3A_23 = vector.load %arg3[%get3A_21, %get3A_22] : memref<1024x128xf32, #tpu.memory_space<vmem>>, vector<1024x128xf32>
    %add3A_24 = arith.addf %mul3A_20, %get3A_23 : vector<1024x128xf32>
    %swap3A = arith.constant 0 : index
    %swap3A_25 = arith.constant 0 : index
    %swap3A_26 = vector.load %arg4[%swap3A, %swap3A_25] : memref<1024x128xf32, #tpu.memory_space<vmem>>, vector<1024x128xf32>
    tpu.vector_store %arg4[%swap3A, %swap3A_25], %add3A_24 {strides = array<i32>} : memref<1024x128xf32, #tpu.memory_space<vmem>>, vector<1024x128xf32>,
    return
  }
  func.func @transform_0(%arg0: i32) -> (i32, i32, i32) {
    %c0_i32 = arith.constant 0 : i32
    %c0_i32_0 = arith.constant 0 : i32
    %c0_i32_1 = arith.constant 0 : i32
    return %c0_i32, %arg0, %c0_i32_0 : i32, i32, i32
  }
  func.func @transform_1(%arg0: i32) -> (i32, i32, i32) {
    %c0_i32 = arith.constant 0 : i32
    %c0_i32_0 = arith.constant 0 : i32
    %c0_i32_1 = arith.constant 0 : i32
    return %c0_i32, %arg0, %c0_i32_0 : i32, i32, i32
  }
  func.func @transform_2(%arg0: i32) -> (i32, i32) {
    %c0_i32 = arith.constant 0 : i32
    %c0_i32_0 = arith.constant 0 : i32
    return %arg0, %c0_i32 : i32, i32
  }
  func.func @transform_3(%arg0: i32) -> (i32, i32) {
    %c0_i32 = arith.constant 0 : i32
    %c0_i32_0 = arith.constant 0 : i32
    return %arg0, %c0_i32 : i32, i32
  }
}

</mosaic_0001>

<sc_bundles>
// kernel: kernel.10.cloned.1.call-start
scs
__scs_entry_jumppad:
0x0: {  	(pc) =	sbr.rel $0x88, $3  }
0x1: {  	(tag) =	ssettag $0x0;
	lr =	simm.s32 $0x1  }
0x2: {  	[smem:$0x3F96] =	sst lr;
	_ =	strace $0xD0000000  }
0x3: {  	_ = 	snop  }
0x4: {  	_ = 	snop  }
0x5: {  	_ = 	snop  }
0x6: {  	_ = 	snop  }
0x7: {  	_ = 	snop  }
__scs_overlays_trampoline_lowered:
0x8: {  	[smem:$0x3FA5] =	sst s0  }
0x9: {  	[smem:$0x3FA6] =	sst s1  }
0xa: {  	[smem:$0x3FA7] =	sst s2  }
0xb: {  	[smem:$0x3FA8] =	sst s3  }
0xc: {  	[smem:$0x3FA9] =	sst s4  }
0xd: {  	[smem:$0x3FAA] =	sst s5  }
0xe: {  	[smem:$0x3FAB] =	sst s6  }
0xf: {  	[smem:$0x3FAC] =	sst s7  }
0x10: {  	[smem:$0x3FAD] =	sst s8  }
0x11: {  	[smem:$0x3FAE] =	sst s9;
	s0 =	simm.s32 @!p0 $0x0  }
0x12: {  	s1 =	sld [smem:$0x3F94];
	s0 =	simm.s32 @p0 $0x1  }
0x13: {  	[smem:$0x3FAF] =	sst s0;
	s0 =	simm.s32 @!p1 $0x0  }
0x14: {  	s2 =	sld [smem:$0x3F93];
	s0 =	simm.s32 @p1 $0x1  }
0x15: {  	[smem:$0x3FB0] =	sst s0;
	s0 =	simm.s32 @!p2 $0x0  }
0x16: {  	s3 =	sld [smem:$0x3FDB];
	s0 =	simm.s32 @p2 $0x1  }
0x17: {  	s4 =	simm.s32 $0x1BF5;
	[smem:$0x3FB2] =	sst s0  }
0x18: {  	s0 =	sld [smem:$0x3F95];
	_ =	swait.ge [sflag:s4], $0x0  }
0x19: {  	s7 =	sld [smem:$0x3F96]  }
0x1a: {  	s8 =	sadd.s32 $0xFFFFE003, lr  }
0x1b: {  	s9 =	sadd.s32 $0xFFFFFEF7, lr;
	s5 =	simm.s32 $0xFFFFFFFF;
	p2 =	slt.u32 s8, $0xFFFFF086  }
0x1c: {  	p1 =	slt.u32 s9, $0xF7A;
	s5 =	simm.s32 @!p2 $0x0  }
0x1d: {  	s5 =	simm.s32 @p1 $0x1;
	p0 =	seq.s32 s7, s2  }
0x1e: {  	s7 =	smul.u32 @!p0 $0xF7A, s2;
	p2 =	seq.s32 @!p0 s5, $0x0  }
0x1f: {  	s9 =	smul.u32 $0xF7A, s1;
	s8 =	simm.s32 @!p0 $0x1BF5;
	p2 =	por !p2, p0  }
0x20: {  	[sflag:s8] =	ssyncset.s32 @!p0 $0xFFFFF086;
	s6 =	sadd.s32 @!p0 s3, s7;
	s7 =	simm.s32 @!p0 $0x108  }
0x21: {  	s3 =	sadd.s32 s3, s9;
	s6 =	sadd.s32 @!p0 $0x88, s6;
	s7 =	simm.s32 @p2 $0x1082  }
0x22: {  	[simem:s7], [sflag:s8] =	dma.local @!p0 [hbm:s6], $0xF7A  }
0x23: {  	s9 =	sor.u32 $0xD0000000, s2;
	s6 =	simm.s32 $0x108;
	_ =	swait.ge @!p0 [sflag:s8], $0x0  }
0x24: {  	s3 =	sadd.s32 $0x88, s3;
	s6 =	simm.s32 @!p1 $0x1082;
	[sflag:s4] =	ssyncset.s32 $0xFFFFF086  }
0x25: {  	[simem:s6], [sflag:s4] =	dma.local [hbm:s3], $0xF7A  }
0x26: {  	[smem:$0x3F96] =	sst s1;
	(tag) =	ssettag s2;
	_ =	strace s9  }
0x27: {  	s1 =	sld [smem:$0x3FA6]  }
0x28: {  	s2 =	sld [smem:$0x3FA7]  }
0x29: {  	s4 =	sld [smem:$0x3FA9]  }
0x2a: {  	p0 =	seq.s32 s5, $0x0;
	s5 =	sld [smem:$0x3FAA]  }
0x2b: {  	s6 =	sld [smem:$0x3FAB]  }
0x2c: {  	s7 =	sld [smem:$0x3FAC]  }
0x2d: {  	s3 =	simm.s32 $0x108;
	s8 =	sld [smem:$0x3FAD]  }
0x2e: {  	s3 =	simm.s32 @!p0 $0x1082;
	s9 =	sld [smem:$0x3FAE]  }
0x2f: {  	lr =	sadd.s32 s0, s3;
	s0 =	sld [smem:$0x3FA5]  }
0x30: {  	s3 =	sld [smem:$0x3FA8]  }
0x31: {  	[smem:$0x3FB1] =	sst s10  }
0x32: {  	s10 =	sld [smem:$0x3FAF];
	_ =	sdelay $0x3  }
0x33: {  	p0 =	seq.s32 s10, $0x1;
	s10 =	sld [smem:$0x3FB1];
	_ =	sdelay $0x3  }
0x34: {  	[smem:$0x3FB1] =	sst s10  }
0x35: {  	s10 =	sld [smem:$0x3FB0];
	_ =	sdelay $0x3  }
0x36: {  	p1 =	seq.s32 s10, $0x1;
	s10 =	sld [smem:$0x3FB1];
	_ =	sdelay $0x3  }
0x37: {  	[smem:$0x3FB1] =	sst s10  }
0x38: {  	s10 =	sld [smem:$0x3FB2]  }
0x39: {  	_ = 	snop;
	(pc) =	sbr.ind lr, $3  }
0x3a: {  	_ = 	snop  }
0x3b: {  	_ = 	snop  }
0x3c: {  	p2 =	seq.s32 s10, $0x1;
	s10 =	sld [smem:$0x3FB1]  }
0x3d: {  	_ =	shalt  }
0x3e: {  	_ =	shalt  }
0x3f: {  	_ =	shalt  }
0x40: {  	_ =	shalt  }
0x41: {  	_ =	shalt  }
0x42: {  	_ =	shalt  }
0x43: {  	_ =	shalt  }
0x44: {  	_ =	shalt  }
0x45: {  	_ =	shalt  }
0x46: {  	_ =	shalt  }
0x47: {  	_ =	shalt  }
0x48: {  	_ =	shalt  }
0x49: {  	_ =	shalt  }
0x4a: {  	_ =	shalt  }
0x4b: {  	_ =	shalt  }
0x4c: {  	_ =	shalt  }
0x4d: {  	_ =	shalt  }
0x4e: {  	_ =	shalt  }
0x4f: {  	_ =	shalt  }
0x50: {  	_ =	shalt  }
0x51: {  	_ =	shalt  }
0x52: {  	_ =	shalt  }
0x53: {  	_ =	shalt  }
0x54: {  	_ =	shalt  }
0x55: {  	_ =	shalt  }
0x56: {  	_ =	shalt  }
0x57: {  	_ =	shalt  }
0x58: {  	_ =	shalt  }
0x59: {  	_ =	shalt  }
0x5a: {  	_ =	shalt  }
0x5b: {  	_ =	shalt  }
0x5c: {  	_ =	shalt  }
0x5d: {  	_ =	shalt  }
0x5e: {  	_ =	shalt  }
0x5f: {  	_ =	shalt  }
0x60: {  	_ =	shalt  }
0x61: {  	_ =	shalt  }
0x62: {  	_ =	shalt  }
0x63: {  	_ =	shalt  }
0x64: {  	_ =	shalt  }
0x65: {  	_ =	shalt  }
0x66: {  	_ =	shalt  }
0x67: {  	_ =	shalt  }
0x68: {  	_ =	shalt  }
0x69: {  	_ =	shalt  }
0x6a: {  	_ =	shalt  }
0x6b: {  	_ =	shalt  }
0x6c: {  	_ =	shalt  }
0x6d: {  	_ =	shalt  }
0x6e: {  	_ =	shalt  }
0x6f: {  	_ =	shalt  }
0x70: {  	_ =	shalt  }
0x71: {  	_ =	shalt  }
0x72: {  	_ =	shalt  }
0x73: {  	_ =	shalt  }
0x74: {  	_ =	shalt  }
0x75: {  	_ =	shalt  }
0x76: {  	_ =	shalt  }
0x77: {  	_ =	shalt  }
0x78: {  	_ =	shalt  }
0x79: {  	_ =	shalt  }
0x7a: {  	_ =	shalt  }
0x7b: {  	_ =	shalt  }
0x7c: {  	_ =	shalt  }
0x7d: {  	_ =	shalt  }
0x7e: {  	_ =	shalt  }
0x7f: {  	_ =	shalt  }
0x80: {  	_ =	shalt  }
0x81: {  	_ =	shalt  }
0x82: {  	_ =	shalt  }
0x83: {  	_ =	shalt  }
0x84: {  	_ =	shalt  }
0x85: {  	_ =	shalt  }
0x86: {  	_ =	shalt  }
0x87: {  	_ =	shalt  }
.Lfunc_end0:
.L_simem_size_0:
called_computation_lowered:
.L_overlay_start_0:
0x88: {  	s2 =	sld [smem:$0x3FD9]  }
0x89: {  	s3 =	sld [smem:$0x3FFE];
	_ =	sdelay $0x1  }
0x8a: {  	s1 =	srdreg.scid  }
0x8b: {  	s0 =	sand.u32 $0x1, s1  }
0x8c: {  	s17 =	sshll.u32 s0, $0xA;
	s2 =	sadd.s32 s3, s2  }
0x8d: {  	s2 =	sadd.s32 s2, s17  }
0x8e: {  	[smem:$0x3FBD] =	sst s2  }
0x8f: {  	_ = 	snop  }
0x90: {  	(tm) =	ssettm $0x1  }
0x91: {  	s18 =	sld [smem:$0x3FFB];
	_ =	sdelay $0x3  }
0x92: {  	_ =	strace s18  }
0x93: {  	s2 =	sld [smem:$0x3FFC];
	_ =	sdelay $0x3  }
0x94: {  	_ =	strace s2  }
0x95: {  	s2 =	sld [smem:$0x3FFD];
	_ =	sdelay $0x3  }
0x96: {  	_ =	strace s2  }
0x97: {  	_ =	strace $0x8FFFFFFF  }
0x98: {  	s19 =	sld [smem:$0x3FDB];
	_ =	sdelay $0x1  }
0x99: {  	s20 =	simm.s32 $_scs_section_size  }
0x9a: {  	s4 =	simm.s32 $_size__tile_overlayer_lowered;
	s5 =	simm.s32 $_tile_overlayer_lowered  }
0x9b: {  	s6 =	simm.s32 $0x1BFF;
	s21 =	sshll.u32 s5, $0x1;
	s3 =	sadd.s32 s20, s19  }
0x9c: {  	s22 =	simm.s32 $0x0;
	s4 =	sshll.u32 s4, $0x1;
	s5 =	sadd.s32 s21, s3  }
0x9d: {  	[timem:s22], [sflag:s6] =	dma.local [hbm:s5], s4  }
0x9e: {  	_ =	swait.ge [sflag:s6], s4  }
0x9f: {  	s4 =	ssub.s32 $0x0, s4;
	[sflag:s6] =	ssyncset.done $0x0  }
0xa0: {  	[sflag:s6] =	ssyncadd.s32 s4;
	_ =	sdelay $0x1  }
0xa1: {  	s23 =	simm.s32 $0x1B8B  }
0xa2: {  	_ =	swait.ge [sflag:s23], $0x1  }
0xa3: {  	[sflag:s23] =	ssyncset.done $0x0  }
0xa4: {  	[sflag:s23] =	ssyncadd.s32 $0xFFFFFFFF  }
0xa5: {  	s4 =	sld [smem:$0x0]  }
0xa6: {  	s5 =	sand.u32 $0xFFFFFFFE, s1  }
0xa7: {  	p0 =	sne.s32 s1, s5  }
0xa8: {  	s5 =	sshll.u32 @p0 s5, $0xE  }
0xa9: {  	s5 =	sadd.s32 @p0 $0x11B8D, s5;
	s6 =	sshll.u32 @p0 s4, $0x11  }
0xaa: {  	s5 =	sor.u32 @p0 s6, s5  }
0xab: {  	[sflag:s5] =	ssyncadd.remote.s32 @p0 $0x1;
	_ =	sdelay $0x1  }
0xac: {  	s5 =	simm.s32 @p0 $0x1B8D  }
0xad: {  	_ =	swait.eq @p0 [sflag:s5], $0x1  }
0xae: {  	[sflag:s5] =	ssyncadd.s32 @p0 $0xFFFFFFFF  }
0xaf: {  	s6 =	sshll.u32 @!p0 s1, $0xE  }
0xb0: {  	s6 =	sor.u32 @!p0 $0x4000, s6;
	s5 =	simm.s32 @!p0 $0x1B8D  }
0xb1: {  	s4 =	sshll.u32 @!p0 s4, $0x11;
	s6 =	sadd.s32 @!p0 $0x11B8D, s6;
	_ =	swait.eq @!p0 [sflag:s5], $0x1  }
0xb2: {  	s4 =	sor.u32 @!p0 s4, s6;
	[sflag:s5] =	ssyncadd.s32 @!p0 $0xFFFFFFFF  }
0xb3: {  	s25 =	simm.s32 $0x1B8E;
	s24 =	sld [smem:$0x3FFE];
	[sflag:s4] =	ssyncadd.remote.s32 @!p0 $0x1  }
0xb4: {  	s26 =	simm.s32 $execute0_lowered;
	[smem:$0x3FD2] =	sst s25  }
0xb5: {  	s5 =	sshll.u32 s26, $0x1;
	_ =	strace $0x80000049;
	[dreg:$0x1] =	wrdreg $0xFFFFFFFF  }
0xb6: {  	s28 =	simm.s32 $_size_execute0_lowered;
	s3 =	sadd.s32 s3, s5;
	[dreg:$0x0] =	wrdreg $0x0  }
0xb7: {  	s5 =	sshll.u32 s28, $0x1;
	[dreg:$0x2] =	wrdreg s3  }
0xb8: {  	[dreg:$0x3] =	wrdreg s5  }
0xb9: {  	[dreg:$0x4] =	wrdreg $0xC0  }
0xba: {  	_ =	task [dreg:s22], $0x5FFFF  }
0xbb: {  	[dreg:$0x1] =	wrdreg $0xFFFFFFFF  }
0xbc: {  	[dreg:$0x0] =	wrdreg $0x60  }
0xbd: {  	[dreg:$0x2] =	wrdreg s24  }
0xbe: {  	[dreg:$0x3] =	wrdreg $0x0  }
0xbf: {  	[dreg:$0x4] =	wrdreg $0x9  }
0xc0: {  	_ =	task.clear_ibuf [dreg:s22], $0x5FFFF;
	_ =	strace $0x90000049  }
0xc1: {  	s29 =	simm.s32 $0x9;
	_ =	strace $0x8000004B  }
0xc2: {  	_ =	swait.ge [sflag:s29], $0x1  }
0xc3: {  	[sflag:s29] =	ssyncadd.s32 $0xFFFFFFFF  }
0xc4: {  	_ =	strace $0x9000004B  }
0xc5: {  	_ =	sfence  }
0xc6: {  	s30 =	sld [smem:$0x0];
	_ =	sdelay $0x2  }
0xc7: {  	s31 =	sshll.u32 s1, $0xD;
	s1 =	sshrl.u32 s1, $0x2  }
0xc8: {  	s4 =	sand.u32 $0x4000, s31;
	s1 =	sadd.s32 s1, s30  }
0xc9: {  	s0 =	sor.u32 s4, s0;
	s1 =	sshll.u32 s1, $0x11  }
0xca: {  	s0 =	sor.u32 s1, s0  }
0xcb: {  	s0 =	sadd.s32 $0x8F2B, s0  }
0xcc: {  	[sflag:s0] =	ssyncadd.remote.s32 $0x1  }
0xcd: {  	_ =	sfence.sel $0xFFFF  }
0xce: {  	[dreg:$0x0] =	wrdreg $0xFFFFFFFF;
	(pc) =	sbr.abs _section_cstart, $3  }
0xcf: {  	[dreg:$0x1] =	wrdreg $0xFFFFFFFF  }
0xd0: {  	_ =	task.clear_ibuf [dreg:s22], $0x2FFFF;
	_ =	strace $0x9FFFFFFF  }
0xd1: {  	(tm) =	ssettm $0x7FFFFFFF  }
tec
execute0_lowered:
.L_overlay_start_1:
0x0: {  	(tag) =	ssettag $0x1  }
0x1: {  	s1 =	srdreg.scid  }
0x2: {  	s0 =	stileid.u32;
	s6 =	rddreg [dreg:$0x0]  }
0x3: {  	s2 =	rddreg [dreg:$0x1];
	s3 =	simm.s32 $0x0;
	s14 =	simm.s32 $0x80  }
0x4: {  	s15 =	simm.s32 $0x0;
	s5 =	sand.u32 $0x1, s1;
	s7 =	smul.u32 $0x14000, s0  }
0x5: {  	s26 =	sshll.u32 s0, $0x1;
	[smem:$0x7FF] =	sst s3;
	s28 =	smul.u32 $0x50000, s0  }
0x6: {  	s31 =	sshll.u32 s0, $0x6;
	s1 =	sor.u32 s5, s26;
	s8 =	smul.u32 $0x140000, s5  }
0x7: {  	s5 =	ssub.s32 $0x2, s5;
	s4 =	smul.u32 $0x500, s1;
	s1 =	rddreg [dreg:$0x2]  }
0x8: {  	_ =	strace $0x8000004A;
	s10 =	sshrl.u32 s7, $0x3;
	s29 =	sshrl.u32 s5, $0x1  }
0x9: {  	s30 =	sshrl.u32 s28, $0x2;
	s7 =	sadd.s32 s7, s8;
	s10 =	sadd.s32 s10, s6  }
0xa: {  	s12 =	ssub.s32 s5, s29;
	s13 =	sadd.s32 s30, s2;
	s9 =	sadd.s32 s4, s6  }
0xb: {  	s4 =	sadd.s32 $0x8F000, s6;
	s7 =	sshrl.u32 s7, $0x3;
	s5 =	sadd.s32 $0x17000, s10  }
0xc: {  	s10 =	sshrl.u32 s13, $0x3;
	s13 =	simm.s32 $0x16800;
	s11 =	sadd.s32 s7, s6  }
0xd: {  	s6 =	sor.u32 $0x1C01, s31;
	s7 =	sadd.s32 $0x3000, s9;
	s9 =	smax.u32 s12, $0x1  }
0xe: {  	s12 =	simm.s32 $0x14000;
	s8 =	sadd.s32 $0x8F800, s11;
	s11 =	simm.s32 $0x1  }
.LBB2_1:
0xf: {  	[spmem:s10], [sflag:s6] =	dma.local [hbm:s5], $0x2800  }
0x10: {  	_ =	swait.ge [sflag:s11], $0x2800  }
0x11: {  	[sflag:s11] =	ssyncset.done $0x0  }
0x12: {  	[sflag:s11] =	ssyncadd.s32 $0xFFFFD800  }
0x13: {  	[tilespmem:s12], [sflag:$0x1] =	stream.linear.gather [hbm4b:s7+s3], $0x2780, $0x38;
	[tilespmem:$0x1A800] =	vst v63  }
0x14: {  	_ =	swait.ge [sflag:s11], $0x2780  }
0x15: {  	[sflag:s11] =	ssyncset.done $0x0  }
0x16: {  	[sflag:s11] =	ssyncadd.s32 $0xFFFFD880  }
0x17: {  	[tilespmem:s13], [sflag:$0x1] =	stream.linear.gather [hbm4b:s4+s3], $0x4000, $0x38;
	[tilespmem:$0x1A800] =	vst v63  }
0x18: {  	_ =	swait.ge [sflag:s11], $0x4000  }
0x19: {  	[sflag:s11] =	ssyncset.done $0x0  }
0x1a: {  	[sflag:s11] =	ssyncadd.s32 $0xFFFFC000  }
0x1b: {  	s16 =	simm.s32 $0x14000;
	[bflag:$0x0] =	sbarrier.arrive $0xFFFF  }
0x1c: {  	[spmem:s2] =	stream.indirect.scatter.add.f32 [tilespmem:s13], [sflag:$0x1], $0x80, s16, s14, $0xb8;
	[tilespmem:$0x1A800] =	vst v63  }
0x1d: {  	s16 =	simm.s32 $0x200;
	_ =	swait.ge [sflag:s11], $0x4000  }
.LBB2_2:
0x1e: {  	s17 =	sshra.s32 s16, $0x2;
	[sflag:s11] =	ssyncset.done $0x0;
	p0 =	sne.s32 s16, $0x9C00  }
.Ltmp0:
0x1f: {  	s17 =	sadd.s32 $0x14000, s17;
	[sflag:s11] =	ssyncadd.s32 $0xFFFFC000;
	(pc) =	sbr.rel @p0 .LBB2_2-.Ltmp0, $3  }
0x20: {  	[spmem:s2] =	stream.indirect.scatter.add.f32 [tilespmem:s13], [sflag:$0x1], $0x80, s17, s14, $0xb8;
	[tilespmem:$0x1A800] =	vst v63  }
0x21: {  	s16 =	sadd.s32 $0x200, s16;
	_ =	sdelay $0x1  }
0x22: {  	_ =	swait.ge [sflag:s11], $0x4000  }
0x23: {  	[sflag:s11] =	ssyncset.done $0x0;
	s15 =	sadd.s32 $0x1, s15  }
0x24: {  	[sflag:s11] =	ssyncadd.s32 $0xFFFFC000;
	p0 =	sne.s32 s15, s9  }
.Ltmp1:
0x25: {  	[bflag:$0x0] =	sbarrier.arrive $0xFFFF;
	(pc) =	sbr.rel @p0 .LBB2_1-.Ltmp1, $4  }
0x26: {  	[hbm:s8], [sflag:s6] =	dma.local [spmem:s10], $0x2800  }
0x27: {  	_ =	swait.ge [sflag:s11], $0x2800  }
0x28: {  	[sflag:s11] =	ssyncset.done $0x0  }
0x29: {  	[sflag:s11] =	ssyncadd.s32 $0xFFFFD800  }
0x2a: {  	_ =	sfence.sel $0x180000  }
0x2b: {  	[bflag:$0x0] =	sbarrier.arrive $0xFFFF  }
0x2c: {  	p0 =	sne.s32 s0, $0x0;
	_ =	strace $0x9000004A  }
0x2d: {  	s0 =	sadd.s32 @!p0 $0x100000, s1;
	[bflag:$0x2] =	sbarrier.arrive $0xFFFF  }
0x2e: {  	[sflag:s0] =	ssyncadd.tile.s32 @!p0 $0x1;
	_ =	shalt  }
.Lfunc_end2:
_tile_overlayer_lowered:
.L_overlay_start_2:
0x2f: {  	(tag) =	ssettag $0x2  }
0x30: {  	s0 =	rddreg [dreg:$0x0];
	s2 =	stileid.u32  }
0x31: {  	s1 =	rddreg [dreg:$0x1];
	p0 =	sne.s32 s2, $0x0  }
0x32: {  	s3 =	rddreg [dreg:$0x2];
	[bflag:$0x3] =	sbarrier.arrive $0xFFFF;
	s2 =	simm.s32 @!p0 $0x1C01  }
0x33: {  	[timem:s3], [sflag:s2] =	dma.local @!p0 [hbm:s0], s1  }
0x34: {  	s0 =	simm.s32 @!p0 $0x1  }
0x35: {  	_ =	swait.ge @!p0 [sflag:s0], s1  }
0x36: {  	s1 =	ssub.s32 @!p0 $0x0, s1;
	[sflag:s0] =	ssyncset.done @!p0 $0x0  }
0x37: {  	[sflag:s0] =	ssyncadd.s32 @!p0 s1  }
0x38: {  	[bflag:$0x3] =	sbarrier.arrive $0xFFFF  }
0x39: {  	_ =	shalt  }

// kernel: kernel.13.cloned.1.call-start
scs
__scs_entry_jumppad:
0x0: {  	(pc) =	sbr.rel $0x88, $3  }
0x1: {  	(tag) =	ssettag $0x0;
	lr =	simm.s32 $0x1  }
0x2: {  	[smem:$0x3F96] =	sst lr;
	_ =	strace $0xD0000000  }
0x3: {  	_ = 	snop  }
0x4: {  	_ = 	snop  }
0x5: {  	_ = 	snop  }
0x6: {  	_ = 	snop  }
0x7: {  	_ = 	snop  }
__scs_overlays_trampoline_lowered:
0x8: {  	[smem:$0x3FA5] =	sst s0  }
0x9: {  	[smem:$0x3FA6] =	sst s1  }
0xa: {  	[smem:$0x3FA7] =	sst s2  }
0xb: {  	[smem:$0x3FA8] =	sst s3  }
0xc: {  	[smem:$0x3FA9] =	sst s4  }
0xd: {  	[smem:$0x3FAA] =	sst s5  }
0xe: {  	[smem:$0x3FAB] =	sst s6  }
0xf: {  	[smem:$0x3FAC] =	sst s7  }
0x10: {  	[smem:$0x3FAD] =	sst s8  }
0x11: {  	[smem:$0x3FAE] =	sst s9;
	s0 =	simm.s32 @!p0 $0x0  }
0x12: {  	s1 =	sld [smem:$0x3F94];
	s0 =	simm.s32 @p0 $0x1  }
0x13: {  	[smem:$0x3FAF] =	sst s0;
	s0 =	simm.s32 @!p1 $0x0  }
0x14: {  	s2 =	sld [smem:$0x3F93];
	s0 =	simm.s32 @p1 $0x1  }
0x15: {  	[smem:$0x3FB0] =	sst s0;
	s0 =	simm.s32 @!p2 $0x0  }
0x16: {  	s3 =	sld [smem:$0x3FDB];
	s0 =	simm.s32 @p2 $0x1  }
0x17: {  	s4 =	simm.s32 $0x1BF5;
	[smem:$0x3FB2] =	sst s0  }
0x18: {  	s0 =	sld [smem:$0x3F95];
	_ =	swait.ge [sflag:s4], $0x0  }
0x19: {  	s7 =	sld [smem:$0x3F96]  }
0x1a: {  	s8 =	sadd.s32 $0xFFFFE003, lr  }
0x1b: {  	s9 =	sadd.s32 $0xFFFFFEF7, lr;
	s5 =	simm.s32 $0xFFFFFFFF;
	p2 =	slt.u32 s8, $0xFFFFF086  }
0x1c: {  	p1 =	slt.u32 s9, $0xF7A;
	s5 =	simm.s32 @!p2 $0x0  }
0x1d: {  	s5 =	simm.s32 @p1 $0x1;
	p0 =	seq.s32 s7, s2  }
0x1e: {  	s7 =	smul.u32 @!p0 $0xF7A, s2;
	p2 =	seq.s32 @!p0 s5, $0x0  }
0x1f: {  	s9 =	smul.u32 $0xF7A, s1;
	s8 =	simm.s32 @!p0 $0x1BF5;
	p2 =	por !p2, p0  }
0x20: {  	[sflag:s8] =	ssyncset.s32 @!p0 $0xFFFFF086;
	s6 =	sadd.s32 @!p0 s3, s7;
	s7 =	simm.s32 @!p0 $0x108  }
0x21: {  	s3 =	sadd.s32 s3, s9;
	s6 =	sadd.s32 @!p0 $0x88, s6;
	s7 =	simm.s32 @p2 $0x1082  }
0x22: {  	[simem:s7], [sflag:s8] =	dma.local @!p0 [hbm:s6], $0xF7A  }
0x23: {  	s9 =	sor.u32 $0xD0000000, s2;
	s6 =	simm.s32 $0x108;
	_ =	swait.ge @!p0 [sflag:s8], $0x0  }
0x24: {  	s3 =	sadd.s32 $0x88, s3;
	s6 =	simm.s32 @!p1 $0x1082;
	[sflag:s4] =	ssyncset.s32 $0xFFFFF086  }
0x25: {  	[simem:s6], [sflag:s4] =	dma.local [hbm:s3], $0xF7A  }
0x26: {  	[smem:$0x3F96] =	sst s1;
	(tag) =	ssettag s2;
	_ =	strace s9  }
0x27: {  	s1 =	sld [smem:$0x3FA6]  }
0x28: {  	s2 =	sld [smem:$0x3FA7]  }
0x29: {  	s4 =	sld [smem:$0x3FA9]  }
0x2a: {  	p0 =	seq.s32 s5, $0x0;
	s5 =	sld [smem:$0x3FAA]  }
0x2b: {  	s6 =	sld [smem:$0x3FAB]  }
0x2c: {  	s7 =	sld [smem:$0x3FAC]  }
0x2d: {  	s3 =	simm.s32 $0x108;
	s8 =	sld [smem:$0x3FAD]  }
0x2e: {  	s3 =	simm.s32 @!p0 $0x1082;
	s9 =	sld [smem:$0x3FAE]  }
0x2f: {  	lr =	sadd.s32 s0, s3;
	s0 =	sld [smem:$0x3FA5]  }
0x30: {  	s3 =	sld [smem:$0x3FA8]  }
0x31: {  	[smem:$0x3FB1] =	sst s10  }
0x32: {  	s10 =	sld [smem:$0x3FAF];
	_ =	sdelay $0x3  }
0x33: {  	p0 =	seq.s32 s10, $0x1;
	s10 =	sld [smem:$0x3FB1];
	_ =	sdelay $0x3  }
0x34: {  	[smem:$0x3FB1] =	sst s10  }
0x35: {  	s10 =	sld [smem:$0x3FB0];
	_ =	sdelay $0x3  }
0x36: {  	p1 =	seq.s32 s10, $0x1;
	s10 =	sld [smem:$0x3FB1];
	_ =	sdelay $0x3  }
0x37: {  	[smem:$0x3FB1] =	sst s10  }
0x38: {  	s10 =	sld [smem:$0x3FB2]  }
0x39: {  	_ = 	snop;
	(pc) =	sbr.ind lr, $3  }
0x3a: {  	_ = 	snop  }
0x3b: {  	_ = 	snop  }
0x3c: {  	p2 =	seq.s32 s10, $0x1;
	s10 =	sld [smem:$0x3FB1]  }
0x3d: {  	_ =	shalt  }
0x3e: {  	_ =	shalt  }
0x3f: {  	_ =	shalt  }
0x40: {  	_ =	shalt  }
0x41: {  	_ =	shalt  }
0x42: {  	_ =	shalt  }
0x43: {  	_ =	shalt  }
0x44: {  	_ =	shalt  }
0x45: {  	_ =	shalt  }
0x46: {  	_ =	shalt  }
0x47: {  	_ =	shalt  }
0x48: {  	_ =	shalt  }
0x49: {  	_ =	shalt  }
0x4a: {  	_ =	shalt  }
0x4b: {  	_ =	shalt  }
0x4c: {  	_ =	shalt  }
0x4d: {  	_ =	shalt  }
0x4e: {  	_ =	shalt  }
0x4f: {  	_ =	shalt  }
0x50: {  	_ =	shalt  }
0x51: {  	_ =	shalt  }
0x52: {  	_ =	shalt  }
0x53: {  	_ =	shalt  }
0x54: {  	_ =	shalt  }
0x55: {  	_ =	shalt  }
0x56: {  	_ =	shalt  }
0x57: {  	_ =	shalt  }
0x58: {  	_ =	shalt  }
0x59: {  	_ =	shalt  }
0x5a: {  	_ =	shalt  }
0x5b: {  	_ =	shalt  }
0x5c: {  	_ =	shalt  }
0x5d: {  	_ =	shalt  }
0x5e: {  	_ =	shalt  }
0x5f: {  	_ =	shalt  }
0x60: {  	_ =	shalt  }
0x61: {  	_ =	shalt  }
0x62: {  	_ =	shalt  }
0x63: {  	_ =	shalt  }
0x64: {  	_ =	shalt  }
0x65: {  	_ =	shalt  }
0x66: {  	_ =	shalt  }
0x67: {  	_ =	shalt  }
0x68: {  	_ =	shalt  }
0x69: {  	_ =	shalt  }
0x6a: {  	_ =	shalt  }
0x6b: {  	_ =	shalt  }
0x6c: {  	_ =	shalt  }
0x6d: {  	_ =	shalt  }
0x6e: {  	_ =	shalt  }
0x6f: {  	_ =	shalt  }
0x70: {  	_ =	shalt  }
0x71: {  	_ =	shalt  }
0x72: {  	_ =	shalt  }
0x73: {  	_ =	shalt  }
0x74: {  	_ =	shalt  }
0x75: {  	_ =	shalt  }
0x76: {  	_ =	shalt  }
0x77: {  	_ =	shalt  }
0x78: {  	_ =	shalt  }
0x79: {  	_ =	shalt  }
0x7a: {  	_ =	shalt  }
0x7b: {  	_ =	shalt  }
0x7c: {  	_ =	shalt  }
0x7d: {  	_ =	shalt  }
0x7e: {  	_ =	shalt  }
0x7f: {  	_ =	shalt  }
0x80: {  	_ =	shalt  }
0x81: {  	_ =	shalt  }
0x82: {  	_ =	shalt  }
0x83: {  	_ =	shalt  }
0x84: {  	_ =	shalt  }
0x85: {  	_ =	shalt  }
0x86: {  	_ =	shalt  }
0x87: {  	_ =	shalt  }
.Lfunc_end0:
.L_simem_size_0:
called_computation.1_lowered:
.L_overlay_start_0:
0x88: {  	s2 =	sld [smem:$0x3FD9]  }
0x89: {  	s3 =	sld [smem:$0x3FFE];
	_ =	sdelay $0x1  }
0x8a: {  	s1 =	srdreg.scid  }
0x8b: {  	s0 =	sand.u32 $0x1, s1  }
0x8c: {  	s17 =	sshll.u32 s0, $0xA;
	s2 =	sadd.s32 s3, s2  }
0x8d: {  	s2 =	sadd.s32 s2, s17  }
0x8e: {  	[smem:$0x3FBD] =	sst s2  }
0x8f: {  	_ = 	snop  }
0x90: {  	s2 =	sld [smem:$0x3FD0];
	(tm) =	ssettm $0x1  }
0x91: {  	s18 =	sld [smem:$0x3FFB];
	_ =	sdelay $0x3  }
0x92: {  	_ =	strace s18  }
0x93: {  	s3 =	sld [smem:$0x3FFC];
	_ =	sdelay $0x3  }
0x94: {  	_ =	strace s3  }
0x95: {  	s3 =	sld [smem:$0x3FFD];
	_ =	sdelay $0x3  }
0x96: {  	_ =	strace s3  }
0x97: {  	_ =	strace $0x8FFFFFFF  }
0x98: {  	s19 =	sld [smem:$0x3FDB];
	_ =	sdelay $0x1  }
0x99: {  	s4 =	simm.s32 $_scs_section_size  }
0x9a: {  	s5 =	simm.s32 $_size__tile_overlayer_lowered;
	s6 =	simm.s32 $_tile_overlayer_lowered  }
0x9b: {  	s22 =	simm.s32 $0x1BFF;
	s21 =	sshll.u32 s6, $0x1;
	s3 =	sadd.s32 s4, s19  }
0x9c: {  	s7 =	simm.s32 $0x0;
	s20 =	sshll.u32 s5, $0x1;
	s5 =	sadd.s32 s21, s3  }
0x9d: {  	[timem:s7], [sflag:s22] =	dma.local [hbm:s5], s20  }
0x9e: {  	_ =	swait.ge [sflag:s22], s20  }
0x9f: {  	s4 =	ssub.s32 $0x0, s20;
	[sflag:s22] =	ssyncset.done $0x0  }
0xa0: {  	[sflag:s22] =	ssyncadd.s32 s4;
	_ =	sdelay $0x1  }
0xa1: {  	s23 =	simm.s32 $0x1B8B  }
0xa2: {  	_ =	swait.ge [sflag:s23], $0x1  }
0xa3: {  	[sflag:s23] =	ssyncset.done $0x0  }
0xa4: {  	s25 =	simm.s32 $0x1B8E;
	s24 =	sld [smem:$0x3FFE];
	[sflag:s23] =	ssyncadd.s32 $0xFFFFFFFF  }
0xa5: {  	s26 =	simm.s32 $execute0_lowered;
	[smem:$0x3FD2] =	sst s25  }
0xa6: {  	s5 =	sshll.u32 s26, $0x1;
	_ =	strace $0x80000046;
	[dreg:$0x1] =	wrdreg $0xFFFFFFFF  }
0xa7: {  	s28 =	simm.s32 $_size_execute0_lowered;
	s3 =	sadd.s32 s3, s5;
	[dreg:$0x0] =	wrdreg $0x0  }
0xa8: {  	s5 =	sshll.u32 s28, $0x1;
	[dreg:$0x2] =	wrdreg s3  }
0xa9: {  	[dreg:$0x3] =	wrdreg s5  }
0xaa: {  	[dreg:$0x4] =	wrdreg $0xC0  }
0xab: {  	_ =	task [dreg:s7], $0x5FFFF  }
0xac: {  	[dreg:$0x1] =	wrdreg $0xFFFFFFFF  }
0xad: {  	[dreg:$0x0] =	wrdreg $0x60  }
0xae: {  	[dreg:$0x2] =	wrdreg s2  }
0xaf: {  	[dreg:$0x3] =	wrdreg s24  }
0xb0: {  	[dreg:$0x4] =	wrdreg $0x0  }
0xb1: {  	[dreg:$0x5] =	wrdreg $0xA  }
0xb2: {  	_ =	task.clear_ibuf [dreg:s7], $0x6FFFF;
	_ =	strace $0x90000046  }
0xb3: {  	s29 =	simm.s32 $0xA;
	_ =	strace $0x80000048  }
0xb4: {  	_ =	swait.ge [sflag:s29], $0x1  }
0xb5: {  	[sflag:s29] =	ssyncadd.s32 $0xFFFFFFFF  }
0xb6: {  	_ =	strace $0x90000048  }
0xb7: {  	_ =	sfence  }
0xb8: {  	s30 =	sld [smem:$0x0];
	_ =	sdelay $0x2  }
0xb9: {  	s31 =	sshll.u32 s1, $0xD;
	s1 =	sshrl.u32 s1, $0x2  }
0xba: {  	s3 =	sand.u32 $0x4000, s31;
	s1 =	sadd.s32 s1, s30  }
0xbb: {  	s0 =	sor.u32 s3, s0;
	s1 =	sshll.u32 s1, $0x11  }
0xbc: {  	s0 =	sor.u32 s1, s0  }
0xbd: {  	s0 =	sadd.s32 $0x8F2B, s0  }
0xbe: {  	[sflag:s0] =	ssyncadd.remote.s32 $0x1  }
0xbf: {  	_ =	sfence.sel $0xFFFF  }
0xc0: {  	[dreg:$0x0] =	wrdreg $0xFFFFFFFF;
	(pc) =	sbr.abs _section_cstart, $3  }
0xc1: {  	[dreg:$0x1] =	wrdreg $0xFFFFFFFF  }
0xc2: {  	_ =	task.clear_ibuf [dreg:s7], $0x2FFFF;
	_ =	strace $0x9FFFFFFF  }
0xc3: {  	(tm) =	ssettm $0x7FFFFFFF  }
tec
execute0_lowered:
.L_overlay_start_1:
0x0: {  	(tag) =	ssettag $0x1  }
0x1: {  	s1 =	rddreg [dreg:$0x0]  }
0x2: {  	s2 =	srdreg.scid;
	s6 =	rddreg [dreg:$0x1]  }
0x3: {  	s0 =	stileid.u32;
	s3 =	rddreg [dreg:$0x2];
	s4 =	simm.s32 $0x0  }
0x4: {  	s14 =	simm.s32 $0x16800;
	s15 =	simm.s32 $0x80;
	s16 =	simm.s32 $0x19000  }
0x5: {  	s17 =	simm.s32 $0x1;
	s18 =	simm.s32 $0x0;
	s8 =	smul.u32 $0x14000, s0  }
0x6: {  	s5 =	sand.u32 $0x1, s2;
	s25 =	sshll.u32 s0, $0x1;
	s28 =	smul.u32 $0x50000, s0  }
0x7: {  	[smem:$0x7FF] =	sst s4;
	s2 =	sor.u32 s5, s25;
	s9 =	smul.u32 $0x140000, s5  }
0x8: {  	s31 =	sshll.u32 s0, $0x6;
	s5 =	ssub.s32 $0x2, s5;
	s7 =	smul.u32 $0x500, s2  }
0x9: {  	s2 =	rddreg [dreg:$0x3];
	_ =	strace $0x80000047;
	s26 =	sshrl.u32 s8, $0x3  }
0xa: {  	s29 =	sshrl.u32 s5, $0x1;
	s30 =	sshrl.u32 s28, $0x2;
	s8 =	sadd.s32 s8, s9  }
0xb: {  	s12 =	ssub.s32 s5, s29;
	s13 =	sadd.s32 s30, s3;
	s8 =	sshrl.u32 s8, $0x3  }
0xc: {  	s10 =	sadd.s32 s7, s6;
	s7 =	sadd.s32 s26, s6;
	s11 =	sadd.s32 s8, s6  }
0xd: {  	s5 =	sadd.s32 $0x17000, s7;
	s6 =	sor.u32 $0x1C02, s31;
	s7 =	sadd.s32 $0xD000, s10  }
0xe: {  	s8 =	sadd.s32 $0x3000, s10;
	s10 =	smax.u32 s12, $0x1;
	s12 =	simm.s32 $0x2  }
0xf: {  	s9 =	sadd.s32 $0x3F000, s11;
	s11 =	sshrl.u32 s13, $0x3;
	s13 =	simm.s32 $0x14000  }
.LBB2_1:
0x10: {  	[spmem:s11], [sflag:s6] =	dma.local [hbm:s5], $0x2800  }
0x11: {  	_ =	swait.ge [sflag:s12], $0x2800  }
0x12: {  	[sflag:s12] =	ssyncset.done $0x0  }
0x13: {  	[sflag:s12] =	ssyncadd.s32 $0xFFFFD800  }
0x14: {  	[tilespmem:s13], [sflag:$0x2] =	stream.linear.gather [hbm4b:s7+s4], $0x2780, $0x38;
	[tilespmem:$0x1D000] =	vst v63  }
0x15: {  	_ =	swait.ge [sflag:s12], $0x2780  }
0x16: {  	[sflag:s12] =	ssyncset.done $0x0  }
0x17: {  	[sflag:s12] =	ssyncadd.s32 $0xFFFFD880  }
0x18: {  	[tilespmem:s14], [sflag:$0x2] =	stream.linear.gather [hbm4b:s8+s4], $0x2780, $0x38;
	[tilespmem:$0x1D000] =	vst v63  }
0x19: {  	_ =	swait.ge [sflag:s12], $0x2780  }
0x1a: {  	[sflag:s12] =	ssyncset.done $0x0  }
0x1b: {  	[sflag:s12] =	ssyncadd.s32 $0xFFFFD880  }
0x1c: {  	s19 =	simm.s32 $0x14000;
	[bflag:$0x0] =	sbarrier.arrive $0xFFFF  }
0x1d: {  	[tilespmem:s16], [sflag:$0x1] =	stream.indirect.gather [hbm4b:s1+s15], $0x80, s19, s15, $0xb8;
	[tilespmem:$0x1D000] =	vst v63  }
0x1e: {  	_ =	swait.ge [sflag:s17], $0x4000  }
0x1f: {  	[sflag:s17] =	ssyncset.done $0x0  }
0x20: {  	s31 =	simm.s32 $0x16800;
	[sflag:s17] =	ssyncadd.s32 $0xFFFFC000  }
0x21: {  	[spmem:s3] =	stream.indirect.scatter.add.f32 [tilespmem:s16], [sflag:$0x2], $0x80, s31, s15, $0xb8;
	[tilespmem:$0x1D000] =	vst v63  }
0x22: {  	_ =	swait.ge [sflag:s12], $0x4000  }
0x23: {  	s20 =	simm.s32 $0x400;
	s19 =	simm.s32 $0x80;
	[sflag:s12] =	ssyncset.done $0x0  }
.LBB2_2:
0x24: {  	s21 =	sadd.s32 $0x14000, s19  }
0x25: {  	[sflag:s12] =	ssyncadd.s32 $0xFFFFC000;
	s22 =	smov.u32 s20;
	s23 =	sadd.s32 $0x200, s20  }
0x26: {  	[tilespmem:s16], [sflag:$0x1] =	stream.indirect.gather [hbm4b:s1+s15], $0x80, s21, s15, $0xb8;
	[tilespmem:$0x1D000] =	vst v63  }
0x27: {  	p0 =	sne.s32 s20, $0x9C00;
	_ =	swait.ge [sflag:s17], $0x4000  }
.Ltmp0:
0x28: {  	[sflag:s17] =	ssyncset.done $0x0;
	(pc) =	sbr.rel @p0 .LBB2_2-.Ltmp0, $4  }
0x29: {  	s19 =	sadd.s32 $0x16800, s19;
	[sflag:s17] =	ssyncadd.s32 $0xFFFFC000  }
0x2a: {  	[spmem:s3] =	stream.indirect.scatter.add.f32 [tilespmem:s16], [sflag:$0x2], $0x80, s19, s15, $0xb8;
	[tilespmem:$0x1D000] =	vst v63  }
0x2b: {  	_ =	swait.ge [sflag:s12], $0x4000  }
0x2c: {  	s20 =	smov.u32 s23;
	s19 =	sshra.s32 s22, $0x2;
	[sflag:s12] =	ssyncset.done $0x0  }
0x2d: {  	s20 =	sadd.s32 $0x14000, s19;
	[sflag:s12] =	ssyncadd.s32 $0xFFFFC000  }
0x2e: {  	[tilespmem:s16], [sflag:$0x1] =	stream.indirect.gather [hbm4b:s1+s15], $0x80, s20, s15, $0xb8;
	[tilespmem:$0x1D000] =	vst v63  }
0x2f: {  	_ =	swait.ge [sflag:s17], $0x4000  }
0x30: {  	[sflag:s17] =	ssyncset.done $0x0  }
0x31: {  	s31 =	sadd.s32 $0x16800, s19;
	[sflag:s17] =	ssyncadd.s32 $0xFFFFC000  }
0x32: {  	[spmem:s3] =	stream.indirect.scatter.add.f32 [tilespmem:s16], [sflag:$0x2], $0x80, s31, s15, $0xb8;
	[tilespmem:$0x1D000] =	vst v63  }
0x33: {  	_ =	swait.ge [sflag:s12], $0x4000  }
0x34: {  	s18 =	sadd.s32 $0x1, s18;
	[sflag:s12] =	ssyncset.done $0x0  }
0x35: {  	p0 =	sne.s32 s18, s10;
	[sflag:s12] =	ssyncadd.s32 $0xFFFFC000  }
.Ltmp1:
0x36: {  	[bflag:$0x0] =	sbarrier.arrive $0xFFFF;
	(pc) =	sbr.rel @p0 .LBB2_1-.Ltmp1, $4  }
0x37: {  	[hbm:s9], [sflag:s6] =	dma.local [spmem:s11], $0x2800  }
0x38: {  	_ =	swait.ge [sflag:s12], $0x2800  }
0x39: {  	[sflag:s12] =	ssyncset.done $0x0  }
0x3a: {  	[sflag:s12] =	ssyncadd.s32 $0xFFFFD800  }
0x3b: {  	_ =	sfence.sel $0x180000  }
0x3c: {  	[bflag:$0x0] =	sbarrier.arrive $0xFFFF  }
0x3d: {  	p0 =	sne.s32 s0, $0x0;
	_ =	strace $0x90000047  }
0x3e: {  	s0 =	sadd.s32 @!p0 $0x100000, s2;
	[bflag:$0x2] =	sbarrier.arrive $0xFFFF  }
0x3f: {  	[sflag:s0] =	ssyncadd.tile.s32 @!p0 $0x1;
	_ =	shalt  }
.Lfunc_end2:
_tile_overlayer_lowered:
.L_overlay_start_2:
0x40: {  	(tag) =	ssettag $0x2  }
0x41: {  	s0 =	rddreg [dreg:$0x0];
	s2 =	stileid.u32  }
0x42: {  	s1 =	rddreg [dreg:$0x1];
	p0 =	sne.s32 s2, $0x0  }
0x43: {  	s3 =	rddreg [dreg:$0x2];
	[bflag:$0x3] =	sbarrier.arrive $0xFFFF;
	s2 =	simm.s32 @!p0 $0x1C02  }
0x44: {  	[timem:s3], [sflag:s2] =	dma.local @!p0 [hbm:s0], s1  }
0x45: {  	s0 =	simm.s32 @!p0 $0x2  }
0x46: {  	_ =	swait.ge @!p0 [sflag:s0], s1  }
0x47: {  	s1 =	ssub.s32 @!p0 $0x0, s1;
	[sflag:s0] =	ssyncset.done @!p0 $0x0  }
0x48: {  	[sflag:s0] =	ssyncadd.s32 @!p0 s1  }
0x49: {  	[bflag:$0x3] =	sbarrier.arrive $0xFFFF  }
0x4a: {  	_ =	shalt  }

// kernel: kernel.16.cloned.1.call-start
scs
__scs_entry_jumppad:
0x0: {  	(pc) =	sbr.rel $0x88, $3  }
0x1: {  	(tag) =	ssettag $0x0;
	lr =	simm.s32 $0x1  }
0x2: {  	[smem:$0x3F96] =	sst lr;
	_ =	strace $0xD0000000  }
0x3: {  	_ = 	snop  }
0x4: {  	_ = 	snop  }
0x5: {  	_ = 	snop  }
0x6: {  	_ = 	snop  }
0x7: {  	_ = 	snop  }
__scs_overlays_trampoline_lowered:
0x8: {  	[smem:$0x3FA5] =	sst s0  }
0x9: {  	[smem:$0x3FA6] =	sst s1  }
0xa: {  	[smem:$0x3FA7] =	sst s2  }
0xb: {  	[smem:$0x3FA8] =	sst s3  }
0xc: {  	[smem:$0x3FA9] =	sst s4  }
0xd: {  	[smem:$0x3FAA] =	sst s5  }
0xe: {  	[smem:$0x3FAB] =	sst s6  }
0xf: {  	[smem:$0x3FAC] =	sst s7  }
0x10: {  	[smem:$0x3FAD] =	sst s8  }
0x11: {  	[smem:$0x3FAE] =	sst s9;
	s0 =	simm.s32 @!p0 $0x0  }
0x12: {  	s1 =	sld [smem:$0x3F94];
	s0 =	simm.s32 @p0 $0x1  }
0x13: {  	[smem:$0x3FAF] =	sst s0;
	s0 =	simm.s32 @!p1 $0x0  }
0x14: {  	s2 =	sld [smem:$0x3F93];
	s0 =	simm.s32 @p1 $0x1  }
0x15: {  	[smem:$0x3FB0] =	sst s0;
	s0 =	simm.s32 @!p2 $0x0  }
0x16: {  	s3 =	sld [smem:$0x3FDB];
	s0 =	simm.s32 @p2 $0x1  }
0x17: {  	s4 =	simm.s32 $0x1BF5;
	[smem:$0x3FB2] =	sst s0  }
0x18: {  	s0 =	sld [smem:$0x3F95];
	_ =	swait.ge [sflag:s4], $0x0  }
0x19: {  	s7 =	sld [smem:$0x3F96]  }
0x1a: {  	s8 =	sadd.s32 $0xFFFFE003, lr  }
0x1b: {  	s9 =	sadd.s32 $0xFFFFFEF7, lr;
	s5 =	simm.s32 $0xFFFFFFFF;
	p2 =	slt.u32 s8, $0xFFFFF086  }
0x1c: {  	p1 =	slt.u32 s9, $0xF7A;
	s5 =	simm.s32 @!p2 $0x0  }
0x1d: {  	s5 =	simm.s32 @p1 $0x1;
	p0 =	seq.s32 s7, s2  }
0x1e: {  	s7 =	smul.u32 @!p0 $0xF7A, s2;
	p2 =	seq.s32 @!p0 s5, $0x0  }
0x1f: {  	s9 =	smul.u32 $0xF7A, s1;
	s8 =	simm.s32 @!p0 $0x1BF5;
	p2 =	por !p2, p0  }
0x20: {  	[sflag:s8] =	ssyncset.s32 @!p0 $0xFFFFF086;
	s6 =	sadd.s32 @!p0 s3, s7;
	s7 =	simm.s32 @!p0 $0x108  }
0x21: {  	s3 =	sadd.s32 s3, s9;
	s6 =	sadd.s32 @!p0 $0x88, s6;
	s7 =	simm.s32 @p2 $0x1082  }
0x22: {  	[simem:s7], [sflag:s8] =	dma.local @!p0 [hbm:s6], $0xF7A  }
0x23: {  	s9 =	sor.u32 $0xD0000000, s2;
	s6 =	simm.s32 $0x108;
	_ =	swait.ge @!p0 [sflag:s8], $0x0  }
0x24: {  	s3 =	sadd.s32 $0x88, s3;
	s6 =	simm.s32 @!p1 $0x1082;
	[sflag:s4] =	ssyncset.s32 $0xFFFFF086  }
0x25: {  	[simem:s6], [sflag:s4] =	dma.local [hbm:s3], $0xF7A  }
0x26: {  	[smem:$0x3F96] =	sst s1;
	(tag) =	ssettag s2;
	_ =	strace s9  }
0x27: {  	s1 =	sld [smem:$0x3FA6]  }
0x28: {  	s2 =	sld [smem:$0x3FA7]  }
0x29: {  	s4 =	sld [smem:$0x3FA9]  }
0x2a: {  	p0 =	seq.s32 s5, $0x0;
	s5 =	sld [smem:$0x3FAA]  }
0x2b: {  	s6 =	sld [smem:$0x3FAB]  }
0x2c: {  	s7 =	sld [smem:$0x3FAC]  }
0x2d: {  	s3 =	simm.s32 $0x108;
	s8 =	sld [smem:$0x3FAD]  }
0x2e: {  	s3 =	simm.s32 @!p0 $0x1082;
	s9 =	sld [smem:$0x3FAE]  }
0x2f: {  	lr =	sadd.s32 s0, s3;
	s0 =	sld [smem:$0x3FA5]  }
0x30: {  	s3 =	sld [smem:$0x3FA8]  }
0x31: {  	[smem:$0x3FB1] =	sst s10  }
0x32: {  	s10 =	sld [smem:$0x3FAF];
	_ =	sdelay $0x3  }
0x33: {  	p0 =	seq.s32 s10, $0x1;
	s10 =	sld [smem:$0x3FB1];
	_ =	sdelay $0x3  }
0x34: {  	[smem:$0x3FB1] =	sst s10  }
0x35: {  	s10 =	sld [smem:$0x3FB0];
	_ =	sdelay $0x3  }
0x36: {  	p1 =	seq.s32 s10, $0x1;
	s10 =	sld [smem:$0x3FB1];
	_ =	sdelay $0x3  }
0x37: {  	[smem:$0x3FB1] =	sst s10  }
0x38: {  	s10 =	sld [smem:$0x3FB2]  }
0x39: {  	_ = 	snop;
	(pc) =	sbr.ind lr, $3  }
0x3a: {  	_ = 	snop  }
0x3b: {  	_ = 	snop  }
0x3c: {  	p2 =	seq.s32 s10, $0x1;
	s10 =	sld [smem:$0x3FB1]  }
0x3d: {  	_ =	shalt  }
0x3e: {  	_ =	shalt  }
0x3f: {  	_ =	shalt  }
0x40: {  	_ =	shalt  }
0x41: {  	_ =	shalt  }
0x42: {  	_ =	shalt  }
0x43: {  	_ =	shalt  }
0x44: {  	_ =	shalt  }
0x45: {  	_ =	shalt  }
0x46: {  	_ =	shalt  }
0x47: {  	_ =	shalt  }
0x48: {  	_ =	shalt  }
0x49: {  	_ =	shalt  }
0x4a: {  	_ =	shalt  }
0x4b: {  	_ =	shalt  }
0x4c: {  	_ =	shalt  }
0x4d: {  	_ =	shalt  }
0x4e: {  	_ =	shalt  }
0x4f: {  	_ =	shalt  }
0x50: {  	_ =	shalt  }
0x51: {  	_ =	shalt  }
0x52: {  	_ =	shalt  }
0x53: {  	_ =	shalt  }
0x54: {  	_ =	shalt  }
0x55: {  	_ =	shalt  }
0x56: {  	_ =	shalt  }
0x57: {  	_ =	shalt  }
0x58: {  	_ =	shalt  }
0x59: {  	_ =	shalt  }
0x5a: {  	_ =	shalt  }
0x5b: {  	_ =	shalt  }
0x5c: {  	_ =	shalt  }
0x5d: {  	_ =	shalt  }
0x5e: {  	_ =	shalt  }
0x5f: {  	_ =	shalt  }
0x60: {  	_ =	shalt  }
0x61: {  	_ =	shalt  }
0x62: {  	_ =	shalt  }
0x63: {  	_ =	shalt  }
0x64: {  	_ =	shalt  }
0x65: {  	_ =	shalt  }
0x66: {  	_ =	shalt  }
0x67: {  	_ =	shalt  }
0x68: {  	_ =	shalt  }
0x69: {  	_ =	shalt  }
0x6a: {  	_ =	shalt  }
0x6b: {  	_ =	shalt  }
0x6c: {  	_ =	shalt  }
0x6d: {  	_ =	shalt  }
0x6e: {  	_ =	shalt  }
0x6f: {  	_ =	shalt  }
0x70: {  	_ =	shalt  }
0x71: {  	_ =	shalt  }
0x72: {  	_ =	shalt  }
0x73: {  	_ =	shalt  }
0x74: {  	_ =	shalt  }
0x75: {  	_ =	shalt  }
0x76: {  	_ =	shalt  }
0x77: {  	_ =	shalt  }
0x78: {  	_ =	shalt  }
0x79: {  	_ =	shalt  }
0x7a: {  	_ =	shalt  }
0x7b: {  	_ =	shalt  }
0x7c: {  	_ =	shalt  }
0x7d: {  	_ =	shalt  }
0x7e: {  	_ =	shalt  }
0x7f: {  	_ =	shalt  }
0x80: {  	_ =	shalt  }
0x81: {  	_ =	shalt  }
0x82: {  	_ =	shalt  }
0x83: {  	_ =	shalt  }
0x84: {  	_ =	shalt  }
0x85: {  	_ =	shalt  }
0x86: {  	_ =	shalt  }
0x87: {  	_ =	shalt  }
.Lfunc_end0:
.L_simem_size_0:
called_computation.2_lowered:
.L_overlay_start_0:
0x88: {  	s2 =	sld [smem:$0x3FD9]  }
0x89: {  	s3 =	sld [smem:$0x3FFE];
	_ =	sdelay $0x1  }
0x8a: {  	s1 =	srdreg.scid  }
0x8b: {  	s0 =	sand.u32 $0x1, s1  }
0x8c: {  	s17 =	sshll.u32 s0, $0xA;
	s2 =	sadd.s32 s3, s2  }
0x8d: {  	s2 =	sadd.s32 s2, s17  }
0x8e: {  	[smem:$0x3FBD] =	sst s2  }
0x8f: {  	_ = 	snop  }
0x90: {  	s2 =	sld [smem:$0x3FD0];
	(tm) =	ssettm $0x1  }
0x91: {  	s18 =	sld [smem:$0x3FFB];
	_ =	sdelay $0x3  }
0x92: {  	_ =	strace s18  }
0x93: {  	s3 =	sld [smem:$0x3FFC];
	_ =	sdelay $0x3  }
0x94: {  	_ =	strace s3  }
0x95: {  	s3 =	sld [smem:$0x3FFD];
	_ =	sdelay $0x3  }
0x96: {  	_ =	strace s3  }
0x97: {  	_ =	strace $0x8FFFFFFF  }
0x98: {  	s19 =	sld [smem:$0x3FDB];
	_ =	sdelay $0x1  }
0x99: {  	s4 =	simm.s32 $_scs_section_size  }
0x9a: {  	s5 =	simm.s32 $_size__tile_overlayer_lowered;
	s6 =	simm.s32 $_tile_overlayer_lowered  }
0x9b: {  	s22 =	simm.s32 $0x1BFF;
	s21 =	sshll.u32 s6, $0x1;
	s3 =	sadd.s32 s4, s19  }
0x9c: {  	s7 =	simm.s32 $0x0;
	s20 =	sshll.u32 s5, $0x1;
	s5 =	sadd.s32 s21, s3  }
0x9d: {  	[timem:s7], [sflag:s22] =	dma.local [hbm:s5], s20  }
0x9e: {  	_ =	swait.ge [sflag:s22], s20  }
0x9f: {  	s4 =	ssub.s32 $0x0, s20;
	[sflag:s22] =	ssyncset.done $0x0  }
0xa0: {  	[sflag:s22] =	ssyncadd.s32 s4;
	_ =	sdelay $0x1  }
0xa1: {  	s23 =	simm.s32 $0x1B8B  }
0xa2: {  	_ =	swait.ge [sflag:s23], $0x1  }
0xa3: {  	[sflag:s23] =	ssyncset.done $0x0  }
0xa4: {  	s25 =	simm.s32 $0x1B8E;
	s24 =	sld [smem:$0x3FFE];
	[sflag:s23] =	ssyncadd.s32 $0xFFFFFFFF  }
0xa5: {  	s26 =	simm.s32 $execute0_lowered;
	[smem:$0x3FD2] =	sst s25  }
0xa6: {  	s5 =	sshll.u32 s26, $0x1;
	_ =	strace $0x8000004C;
	[dreg:$0x1] =	wrdreg $0xFFFFFFFF  }
0xa7: {  	s28 =	simm.s32 $_size_execute0_lowered;
	s3 =	sadd.s32 s3, s5;
	[dreg:$0x0] =	wrdreg $0x0  }
0xa8: {  	s5 =	sshll.u32 s28, $0x1;
	[dreg:$0x2] =	wrdreg s3  }
0xa9: {  	[dreg:$0x3] =	wrdreg s5  }
0xaa: {  	[dreg:$0x4] =	wrdreg $0xC0  }
0xab: {  	_ =	task [dreg:s7], $0x5FFFF  }
0xac: {  	[dreg:$0x1] =	wrdreg $0xFFFFFFFF  }
0xad: {  	[dreg:$0x0] =	wrdreg $0x60  }
0xae: {  	[dreg:$0x2] =	wrdreg s2  }
0xaf: {  	[dreg:$0x3] =	wrdreg s24  }
0xb0: {  	[dreg:$0x4] =	wrdreg $0x0  }
0xb1: {  	[dreg:$0x5] =	wrdreg $0x9  }
0xb2: {  	_ =	task.clear_ibuf [dreg:s7], $0x6FFFF;
	_ =	strace $0x9000004C  }
0xb3: {  	s29 =	simm.s32 $0x9;
	_ =	strace $0x8000004E  }
0xb4: {  	_ =	swait.ge [sflag:s29], $0x1  }
0xb5: {  	[sflag:s29] =	ssyncadd.s32 $0xFFFFFFFF  }
0xb6: {  	_ =	strace $0x9000004E  }
0xb7: {  	_ =	sfence  }
0xb8: {  	s30 =	sld [smem:$0x0];
	_ =	sdelay $0x2  }
0xb9: {  	s31 =	sshll.u32 s1, $0xD;
	s1 =	sshrl.u32 s1, $0x2  }
0xba: {  	s3 =	sand.u32 $0x4000, s31;
	s1 =	sadd.s32 s1, s30  }
0xbb: {  	s0 =	sor.u32 s3, s0;
	s1 =	sshll.u32 s1, $0x11  }
0xbc: {  	s0 =	sor.u32 s1, s0  }
0xbd: {  	s0 =	sadd.s32 $0x8F2B, s0  }
0xbe: {  	[sflag:s0] =	ssyncadd.remote.s32 $0x1  }
0xbf: {  	_ =	sfence.sel $0xFFFF  }
0xc0: {  	[dreg:$0x0] =	wrdreg $0xFFFFFFFF;
	(pc) =	sbr.abs _section_cstart, $3  }
0xc1: {  	[dreg:$0x1] =	wrdreg $0xFFFFFFFF  }
0xc2: {  	_ =	task.clear_ibuf [dreg:s7], $0x2FFFF;
	_ =	strace $0x9FFFFFFF  }
0xc3: {  	(tm) =	ssettm $0x7FFFFFFF  }
tec
execute0_lowered:
.L_overlay_start_1:
0x0: {  	(tag) =	ssettag $0x1  }
0x1: {  	s1 =	rddreg [dreg:$0x0]  }
0x2: {  	s2 =	srdreg.scid;
	s6 =	rddreg [dreg:$0x1]  }
0x3: {  	s0 =	stileid.u32;
	s3 =	rddreg [dreg:$0x2];
	s4 =	simm.s32 $0x0  }
0x4: {  	s14 =	simm.s32 $0x16800;
	s15 =	simm.s32 $0x80;
	s16 =	simm.s32 $0x19000  }
0x5: {  	s17 =	simm.s32 $0x1;
	s18 =	simm.s32 $0x0;
	s8 =	smul.u32 $0x14000, s0  }
0x6: {  	s5 =	sand.u32 $0x1, s2;
	s25 =	sshll.u32 s0, $0x1;
	s28 =	smul.u32 $0x50000, s0  }
0x7: {  	[smem:$0x7FF] =	sst s4;
	s2 =	sor.u32 s5, s25;
	s9 =	smul.u32 $0x140000, s5  }
0x8: {  	s31 =	sshll.u32 s0, $0x6;
	s5 =	ssub.s32 $0x2, s5;
	s7 =	smul.u32 $0x500, s2  }
0x9: {  	s2 =	rddreg [dreg:$0x3];
	_ =	strace $0x8000004D;
	s26 =	sshrl.u32 s8, $0x3  }
0xa: {  	s29 =	sshrl.u32 s5, $0x1;
	s30 =	sshrl.u32 s28, $0x2;
	s8 =	sadd.s32 s8, s9  }
0xb: {  	s12 =	ssub.s32 s5, s29;
	s13 =	sadd.s32 s30, s3;
	s8 =	sshrl.u32 s8, $0x3  }
0xc: {  	s10 =	sadd.s32 s7, s6;
	s7 =	sadd.s32 s26, s6;
	s11 =	sadd.s32 s8, s6  }
0xd: {  	s5 =	sadd.s32 $0x17000, s7;
	s6 =	sor.u32 $0x1C02, s31;
	s7 =	sadd.s32 $0xD000, s10  }
0xe: {  	s8 =	sadd.s32 $0x3000, s10;
	s10 =	smax.u32 s12, $0x1;
	s12 =	simm.s32 $0x2  }
0xf: {  	s9 =	sadd.s32 $0x3F000, s11;
	s11 =	sshrl.u32 s13, $0x3;
	s13 =	simm.s32 $0x14000  }
.LBB2_1:
0x10: {  	[spmem:s11], [sflag:s6] =	dma.local [hbm:s5], $0x2800  }
0x11: {  	_ =	swait.ge [sflag:s12], $0x2800  }
0x12: {  	[sflag:s12] =	ssyncset.done $0x0  }
0x13: {  	[sflag:s12] =	ssyncadd.s32 $0xFFFFD800  }
0x14: {  	[tilespmem:s13], [sflag:$0x2] =	stream.linear.gather [hbm4b:s7+s4], $0x2780, $0x38;
	[tilespmem:$0x1D000] =	vst v63  }
0x15: {  	_ =	swait.ge [sflag:s12], $0x2780  }
0x16: {  	[sflag:s12] =	ssyncset.done $0x0  }
0x17: {  	[sflag:s12] =	ssyncadd.s32 $0xFFFFD880  }
0x18: {  	[tilespmem:s14], [sflag:$0x2] =	stream.linear.gather [hbm4b:s8+s4], $0x2780, $0x38;
	[tilespmem:$0x1D000] =	vst v63  }
0x19: {  	_ =	swait.ge [sflag:s12], $0x2780  }
0x1a: {  	[sflag:s12] =	ssyncset.done $0x0  }
0x1b: {  	[sflag:s12] =	ssyncadd.s32 $0xFFFFD880  }
0x1c: {  	s19 =	simm.s32 $0x14000;
	[bflag:$0x0] =	sbarrier.arrive $0xFFFF  }
0x1d: {  	[tilespmem:s16], [sflag:$0x1] =	stream.indirect.gather [hbm4b:s1+s15], $0x80, s19, s15, $0xb8;
	[tilespmem:$0x1D000] =	vst v63  }
0x1e: {  	_ =	swait.ge [sflag:s17], $0x4000  }
0x1f: {  	[sflag:s17] =	ssyncset.done $0x0  }
0x20: {  	s31 =	simm.s32 $0x16800;
	[sflag:s17] =	ssyncadd.s32 $0xFFFFC000  }
0x21: {  	[spmem:s3] =	stream.indirect.scatter.add.f32 [tilespmem:s16], [sflag:$0x2], $0x80, s31, s15, $0xb8;
	[tilespmem:$0x1D000] =	vst v63  }
0x22: {  	_ =	swait.ge [sflag:s12], $0x4000  }
0x23: {  	s20 =	simm.s32 $0x400;
	s19 =	simm.s32 $0x80;
	[sflag:s12] =	ssyncset.done $0x0  }
.LBB2_2:
0x24: {  	s21 =	sadd.s32 $0x14000, s19  }
0x25: {  	[sflag:s12] =	ssyncadd.s32 $0xFFFFC000;
	s22 =	smov.u32 s20;
	s23 =	sadd.s32 $0x200, s20  }
0x26: {  	[tilespmem:s16], [sflag:$0x1] =	stream.indirect.gather [hbm4b:s1+s15], $0x80, s21, s15, $0xb8;
	[tilespmem:$0x1D000] =	vst v63  }
0x27: {  	p0 =	sne.s32 s20, $0x9C00;
	_ =	swait.ge [sflag:s17], $0x4000  }
.Ltmp0:
0x28: {  	[sflag:s17] =	ssyncset.done $0x0;
	(pc) =	sbr.rel @p0 .LBB2_2-.Ltmp0, $4  }
0x29: {  	s19 =	sadd.s32 $0x16800, s19;
	[sflag:s17] =	ssyncadd.s32 $0xFFFFC000  }
0x2a: {  	[spmem:s3] =	stream.indirect.scatter.add.f32 [tilespmem:s16], [sflag:$0x2], $0x80, s19, s15, $0xb8;
	[tilespmem:$0x1D000] =	vst v63  }
0x2b: {  	_ =	swait.ge [sflag:s12], $0x4000  }
0x2c: {  	s20 =	smov.u32 s23;
	s19 =	sshra.s32 s22, $0x2;
	[sflag:s12] =	ssyncset.done $0x0  }
0x2d: {  	s20 =	sadd.s32 $0x14000, s19;
	[sflag:s12] =	ssyncadd.s32 $0xFFFFC000  }
0x2e: {  	[tilespmem:s16], [sflag:$0x1] =	stream.indirect.gather [hbm4b:s1+s15], $0x80, s20, s15, $0xb8;
	[tilespmem:$0x1D000] =	vst v63  }
0x2f: {  	_ =	swait.ge [sflag:s17], $0x4000  }
0x30: {  	[sflag:s17] =	ssyncset.done $0x0  }
0x31: {  	s31 =	sadd.s32 $0x16800, s19;
	[sflag:s17] =	ssyncadd.s32 $0xFFFFC000  }
0x32: {  	[spmem:s3] =	stream.indirect.scatter.add.f32 [tilespmem:s16], [sflag:$0x2], $0x80, s31, s15, $0xb8;
	[tilespmem:$0x1D000] =	vst v63  }
0x33: {  	_ =	swait.ge [sflag:s12], $0x4000  }
0x34: {  	s18 =	sadd.s32 $0x1, s18;
	[sflag:s12] =	ssyncset.done $0x0  }
0x35: {  	p0 =	sne.s32 s18, s10;
	[sflag:s12] =	ssyncadd.s32 $0xFFFFC000  }
.Ltmp1:
0x36: {  	[bflag:$0x0] =	sbarrier.arrive $0xFFFF;
	(pc) =	sbr.rel @p0 .LBB2_1-.Ltmp1, $4  }
0x37: {  	[hbm:s9], [sflag:s6] =	dma.local [spmem:s11], $0x2800  }
0x38: {  	_ =	swait.ge [sflag:s12], $0x2800  }
0x39: {  	[sflag:s12] =	ssyncset.done $0x0  }
0x3a: {  	[sflag:s12] =	ssyncadd.s32 $0xFFFFD800  }
0x3b: {  	_ =	sfence.sel $0x180000  }
0x3c: {  	[bflag:$0x0] =	sbarrier.arrive $0xFFFF  }
0x3d: {  	p0 =	sne.s32 s0, $0x0;
	_ =	strace $0x9000004D  }
0x3e: {  	s0 =	sadd.s32 @!p0 $0x100000, s2;
	[bflag:$0x2] =	sbarrier.arrive $0xFFFF  }
0x3f: {  	[sflag:s0] =	ssyncadd.tile.s32 @!p0 $0x1;
	_ =	shalt  }
.Lfunc_end2:
_tile_overlayer_lowered:
.L_overlay_start_2:
0x40: {  	(tag) =	ssettag $0x2  }
0x41: {  	s0 =	rddreg [dreg:$0x0];
	s2 =	stileid.u32  }
0x42: {  	s1 =	rddreg [dreg:$0x1];
	p0 =	sne.s32 s2, $0x0  }
0x43: {  	s3 =	rddreg [dreg:$0x2];
	[bflag:$0x3] =	sbarrier.arrive $0xFFFF;
	s2 =	simm.s32 @!p0 $0x1C02  }
0x44: {  	[timem:s3], [sflag:s2] =	dma.local @!p0 [hbm:s0], s1  }
0x45: {  	s0 =	simm.s32 @!p0 $0x2  }
0x46: {  	_ =	swait.ge @!p0 [sflag:s0], s1  }
0x47: {  	s1 =	ssub.s32 @!p0 $0x0, s1;
	[sflag:s0] =	ssyncset.done @!p0 $0x0  }
0x48: {  	[sflag:s0] =	ssyncadd.s32 @!p0 s1  }
0x49: {  	[bflag:$0x3] =	sbarrier.arrive $0xFFFF  }
0x4a: {  	_ =	shalt  }

// kernel: kernel.19.cloned.1.call-start
scs
__scs_entry_jumppad:
0x0: {  	(pc) =	sbr.rel $0x88, $3  }
0x1: {  	(tag) =	ssettag $0x0;
	lr =	simm.s32 $0x1  }
0x2: {  	[smem:$0x3F96] =	sst lr;
	_ =	strace $0xD0000000  }
0x3: {  	_ = 	snop  }
0x4: {  	_ = 	snop  }
0x5: {  	_ = 	snop  }
0x6: {  	_ = 	snop  }
0x7: {  	_ = 	snop  }
__scs_overlays_trampoline_lowered:
0x8: {  	[smem:$0x3FA5] =	sst s0  }
0x9: {  	[smem:$0x3FA6] =	sst s1  }
0xa: {  	[smem:$0x3FA7] =	sst s2  }
0xb: {  	[smem:$0x3FA8] =	sst s3  }
0xc: {  	[smem:$0x3FA9] =	sst s4  }
0xd: {  	[smem:$0x3FAA] =	sst s5  }
0xe: {  	[smem:$0x3FAB] =	sst s6  }
0xf: {  	[smem:$0x3FAC] =	sst s7  }
0x10: {  	[smem:$0x3FAD] =	sst s8  }
0x11: {  	[smem:$0x3FAE] =	sst s9;
	s0 =	simm.s32 @!p0 $0x0  }
0x12: {  	s1 =	sld [smem:$0x3F94];
	s0 =	simm.s32 @p0 $0x1  }
0x13: {  	[smem:$0x3FAF] =	sst s0;
	s0 =	simm.s32 @!p1 $0x0  }
0x14: {  	s2 =	sld [smem:$0x3F93];
	s0 =	simm.s32 @p1 $0x1  }
0x15: {  	[smem:$0x3FB0] =	sst s0;
	s0 =	simm.s32 @!p2 $0x0  }
0x16: {  	s3 =	sld [smem:$0x3FDB];
	s0 =	simm.s32 @p2 $0x1  }
0x17: {  	s4 =	simm.s32 $0x1BF5;
	[smem:$0x3FB2] =	sst s0  }
0x18: {  	s0 =	sld [smem:$0x3F95];
	_ =	swait.ge [sflag:s4], $0x0  }
0x19: {  	s7 =	sld [smem:$0x3F96]  }
0x1a: {  	s8 =	sadd.s32 $0xFFFFE003, lr  }
0x1b: {  	s9 =	sadd.s32 $0xFFFFFEF7, lr;
	s5 =	simm.s32 $0xFFFFFFFF;
	p2 =	slt.u32 s8, $0xFFFFF086  }
0x1c: {  	p1 =	slt.u32 s9, $0xF7A;
	s5 =	simm.s32 @!p2 $0x0  }
0x1d: {  	s5 =	simm.s32 @p1 $0x1;
	p0 =	seq.s32 s7, s2  }
0x1e: {  	s7 =	smul.u32 @!p0 $0xF7A, s2;
	p2 =	seq.s32 @!p0 s5, $0x0  }
0x1f: {  	s9 =	smul.u32 $0xF7A, s1;
	s8 =	simm.s32 @!p0 $0x1BF5;
	p2 =	por !p2, p0  }
0x20: {  	[sflag:s8] =	ssyncset.s32 @!p0 $0xFFFFF086;
	s6 =	sadd.s32 @!p0 s3, s7;
	s7 =	simm.s32 @!p0 $0x108  }
0x21: {  	s3 =	sadd.s32 s3, s9;
	s6 =	sadd.s32 @!p0 $0x88, s6;
	s7 =	simm.s32 @p2 $0x1082  }
0x22: {  	[simem:s7], [sflag:s8] =	dma.local @!p0 [hbm:s6], $0xF7A  }
0x23: {  	s9 =	sor.u32 $0xD0000000, s2;
	s6 =	simm.s32 $0x108;
	_ =	swait.ge @!p0 [sflag:s8], $0x0  }
0x24: {  	s3 =	sadd.s32 $0x88, s3;
	s6 =	simm.s32 @!p1 $0x1082;
	[sflag:s4] =	ssyncset.s32 $0xFFFFF086  }
0x25: {  	[simem:s6], [sflag:s4] =	dma.local [hbm:s3], $0xF7A  }
0x26: {  	[smem:$0x3F96] =	sst s1;
	(tag) =	ssettag s2;
	_ =	strace s9  }
0x27: {  	s1 =	sld [smem:$0x3FA6]  }
0x28: {  	s2 =	sld [smem:$0x3FA7]  }
0x29: {  	s4 =	sld [smem:$0x3FA9]  }
0x2a: {  	p0 =	seq.s32 s5, $0x0;
	s5 =	sld [smem:$0x3FAA]  }
0x2b: {  	s6 =	sld [smem:$0x3FAB]  }
0x2c: {  	s7 =	sld [smem:$0x3FAC]  }
0x2d: {  	s3 =	simm.s32 $0x108;
	s8 =	sld [smem:$0x3FAD]  }
0x2e: {  	s3 =	simm.s32 @!p0 $0x1082;
	s9 =	sld [smem:$0x3FAE]  }
0x2f: {  	lr =	sadd.s32 s0, s3;
	s0 =	sld [smem:$0x3FA5]  }
0x30: {  	s3 =	sld [smem:$0x3FA8]  }
0x31: {  	[smem:$0x3FB1] =	sst s10  }
0x32: {  	s10 =	sld [smem:$0x3FAF];
	_ =	sdelay $0x3  }
0x33: {  	p0 =	seq.s32 s10, $0x1;
	s10 =	sld [smem:$0x3FB1];
	_ =	sdelay $0x3  }
0x34: {  	[smem:$0x3FB1] =	sst s10  }
0x35: {  	s10 =	sld [smem:$0x3FB0];
	_ =	sdelay $0x3  }
0x36: {  	p1 =	seq.s32 s10, $0x1;
	s10 =	sld [smem:$0x3FB1];
	_ =	sdelay $0x3  }
0x37: {  	[smem:$0x3FB1] =	sst s10  }
0x38: {  	s10 =	sld [smem:$0x3FB2]  }
0x39: {  	_ = 	snop;
	(pc) =	sbr.ind lr, $3  }
0x3a: {  	_ = 	snop  }
0x3b: {  	_ = 	snop  }
0x3c: {  	p2 =	seq.s32 s10, $0x1;
	s10 =	sld [smem:$0x3FB1]  }
0x3d: {  	_ =	shalt  }
0x3e: {  	_ =	shalt  }
0x3f: {  	_ =	shalt  }
0x40: {  	_ =	shalt  }
0x41: {  	_ =	shalt  }
0x42: {  	_ =	shalt  }
0x43: {  	_ =	shalt  }
0x44: {  	_ =	shalt  }
0x45: {  	_ =	shalt  }
0x46: {  	_ =	shalt  }
0x47: {  	_ =	shalt  }
0x48: {  	_ =	shalt  }
0x49: {  	_ =	shalt  }
0x4a: {  	_ =	shalt  }
0x4b: {  	_ =	shalt  }
0x4c: {  	_ =	shalt  }
0x4d: {  	_ =	shalt  }
0x4e: {  	_ =	shalt  }
0x4f: {  	_ =	shalt  }
0x50: {  	_ =	shalt  }
0x51: {  	_ =	shalt  }
0x52: {  	_ =	shalt  }
0x53: {  	_ =	shalt  }
0x54: {  	_ =	shalt  }
0x55: {  	_ =	shalt  }
0x56: {  	_ =	shalt  }
0x57: {  	_ =	shalt  }
0x58: {  	_ =	shalt  }
0x59: {  	_ =	shalt  }
0x5a: {  	_ =	shalt  }
0x5b: {  	_ =	shalt  }
0x5c: {  	_ =	shalt  }
0x5d: {  	_ =	shalt  }
0x5e: {  	_ =	shalt  }
0x5f: {  	_ =	shalt  }
0x60: {  	_ =	shalt  }
0x61: {  	_ =	shalt  }
0x62: {  	_ =	shalt  }
0x63: {  	_ =	shalt  }
0x64: {  	_ =	shalt  }
0x65: {  	_ =	shalt  }
0x66: {  	_ =	shalt  }
0x67: {  	_ =	shalt  }
0x68: {  	_ =	shalt  }
0x69: {  	_ =	shalt  }
0x6a: {  	_ =	shalt  }
0x6b: {  	_ =	shalt  }
0x6c: {  	_ =	shalt  }
0x6d: {  	_ =	shalt  }
0x6e: {  	_ =	shalt  }
0x6f: {  	_ =	shalt  }
0x70: {  	_ =	shalt  }
0x71: {  	_ =	shalt  }
0x72: {  	_ =	shalt  }
0x73: {  	_ =	shalt  }
0x74: {  	_ =	shalt  }
0x75: {  	_ =	shalt  }
0x76: {  	_ =	shalt  }
0x77: {  	_ =	shalt  }
0x78: {  	_ =	shalt  }
0x79: {  	_ =	shalt  }
0x7a: {  	_ =	shalt  }
0x7b: {  	_ =	shalt  }
0x7c: {  	_ =	shalt  }
0x7d: {  	_ =	shalt  }
0x7e: {  	_ =	shalt  }
0x7f: {  	_ =	shalt  }
0x80: {  	_ =	shalt  }
0x81: {  	_ =	shalt  }
0x82: {  	_ =	shalt  }
0x83: {  	_ =	shalt  }
0x84: {  	_ =	shalt  }
0x85: {  	_ =	shalt  }
0x86: {  	_ =	shalt  }
0x87: {  	_ =	shalt  }
.Lfunc_end0:
.L_simem_size_0:
called_computation.3_lowered:
.L_overlay_start_0:
0x88: {  	s2 =	sld [smem:$0x3FD9]  }
0x89: {  	s3 =	sld [smem:$0x3FFE];
	_ =	sdelay $0x1  }
0x8a: {  	s1 =	srdreg.scid  }
0x8b: {  	s0 =	sand.u32 $0x1, s1  }
0x8c: {  	s17 =	sshll.u32 s0, $0xA;
	s2 =	sadd.s32 s3, s2  }
0x8d: {  	s2 =	sadd.s32 s2, s17  }
0x8e: {  	[smem:$0x3FBD] =	sst s2  }
0x8f: {  	_ = 	snop  }
0x90: {  	s2 =	sld [smem:$0x3FD0];
	(tm) =	ssettm $0x1  }
0x91: {  	s18 =	sld [smem:$0x3FFB];
	_ =	sdelay $0x3  }
0x92: {  	_ =	strace s18  }
0x93: {  	s3 =	sld [smem:$0x3FFC];
	_ =	sdelay $0x3  }
0x94: {  	_ =	strace s3  }
0x95: {  	s3 =	sld [smem:$0x3FFD];
	_ =	sdelay $0x3  }
0x96: {  	_ =	strace s3  }
0x97: {  	_ =	strace $0x8FFFFFFF  }
0x98: {  	s19 =	sld [smem:$0x3FDB];
	_ =	sdelay $0x1  }
0x99: {  	s4 =	simm.s32 $_scs_section_size  }
0x9a: {  	s5 =	simm.s32 $_size__tile_overlayer_lowered;
	s6 =	simm.s32 $_tile_overlayer_lowered  }
0x9b: {  	s22 =	simm.s32 $0x1BFF;
	s21 =	sshll.u32 s6, $0x1;
	s3 =	sadd.s32 s4, s19  }
0x9c: {  	s7 =	simm.s32 $0x0;
	s20 =	sshll.u32 s5, $0x1;
	s5 =	sadd.s32 s21, s3  }
0x9d: {  	[timem:s7], [sflag:s22] =	dma.local [hbm:s5], s20  }
0x9e: {  	_ =	swait.ge [sflag:s22], s20  }
0x9f: {  	s4 =	ssub.s32 $0x0, s20;
	[sflag:s22] =	ssyncset.done $0x0  }
0xa0: {  	[sflag:s22] =	ssyncadd.s32 s4;
	_ =	sdelay $0x1  }
0xa1: {  	s23 =	simm.s32 $0x1B8B  }
0xa2: {  	_ =	swait.ge [sflag:s23], $0x1  }
0xa3: {  	[sflag:s23] =	ssyncset.done $0x0  }
0xa4: {  	s25 =	simm.s32 $0x1B8E;
	s24 =	sld [smem:$0x3FFE];
	[sflag:s23] =	ssyncadd.s32 $0xFFFFFFFF  }
0xa5: {  	s26 =	simm.s32 $execute0_lowered;
	[smem:$0x3FD2] =	sst s25  }
0xa6: {  	s5 =	sshll.u32 s26, $0x1;
	_ =	strace $0x8000004F;
	[dreg:$0x1] =	wrdreg $0xFFFFFFFF  }
0xa7: {  	s28 =	simm.s32 $_size_execute0_lowered;
	s3 =	sadd.s32 s3, s5;
	[dreg:$0x0] =	wrdreg $0x0  }
0xa8: {  	s5 =	sshll.u32 s28, $0x1;
	[dreg:$0x2] =	wrdreg s3  }
0xa9: {  	[dreg:$0x3] =	wrdreg s5  }
0xaa: {  	[dreg:$0x4] =	wrdreg $0xC0  }
0xab: {  	_ =	task [dreg:s7], $0x5FFFF  }
0xac: {  	[dreg:$0x1] =	wrdreg $0xFFFFFFFF  }
0xad: {  	[dreg:$0x0] =	wrdreg $0x60  }
0xae: {  	[dreg:$0x2] =	wrdreg s2  }
0xaf: {  	[dreg:$0x3] =	wrdreg s24  }
0xb0: {  	[dreg:$0x4] =	wrdreg $0x0  }
0xb1: {  	[dreg:$0x5] =	wrdreg $0x9  }
0xb2: {  	_ =	task.clear_ibuf [dreg:s7], $0x6FFFF;
	_ =	strace $0x9000004F  }
0xb3: {  	s29 =	simm.s32 $0x9;
	_ =	strace $0x80000051  }
0xb4: {  	_ =	swait.ge [sflag:s29], $0x1  }
0xb5: {  	[sflag:s29] =	ssyncadd.s32 $0xFFFFFFFF  }
0xb6: {  	_ =	strace $0x90000051  }
0xb7: {  	_ =	sfence  }
0xb8: {  	s30 =	sld [smem:$0x0];
	_ =	sdelay $0x2  }
0xb9: {  	s31 =	sshll.u32 s1, $0xD;
	s1 =	sshrl.u32 s1, $0x2  }
0xba: {  	s3 =	sand.u32 $0x4000, s31;
	s1 =	sadd.s32 s1, s30  }
0xbb: {  	s0 =	sor.u32 s3, s0;
	s1 =	sshll.u32 s1, $0x11  }
0xbc: {  	s0 =	sor.u32 s1, s0  }
0xbd: {  	s0 =	sadd.s32 $0x8F2B, s0  }
0xbe: {  	[sflag:s0] =	ssyncadd.remote.s32 $0x1  }
0xbf: {  	_ =	sfence.sel $0xFFFF  }
0xc0: {  	[dreg:$0x0] =	wrdreg $0xFFFFFFFF;
	(pc) =	sbr.abs _section_cstart, $3  }
0xc1: {  	[dreg:$0x1] =	wrdreg $0xFFFFFFFF  }
0xc2: {  	_ =	task.clear_ibuf [dreg:s7], $0x2FFFF;
	_ =	strace $0x9FFFFFFF  }
0xc3: {  	(tm) =	ssettm $0x7FFFFFFF  }
tec
execute0_lowered:
.L_overlay_start_1:
0x0: {  	(tag) =	ssettag $0x1  }
0x1: {  	s1 =	rddreg [dreg:$0x0]  }
0x2: {  	s2 =	srdreg.scid;
	s6 =	rddreg [dreg:$0x1]  }
0x3: {  	s0 =	stileid.u32;
	s3 =	rddreg [dreg:$0x2];
	s4 =	simm.s32 $0x0  }
0x4: {  	s14 =	simm.s32 $0x16800;
	s15 =	simm.s32 $0x80;
	s16 =	simm.s32 $0x19000  }
0x5: {  	s17 =	simm.s32 $0x1;
	s18 =	simm.s32 $0x0;
	s8 =	smul.u32 $0x14000, s0  }
0x6: {  	s5 =	sand.u32 $0x1, s2;
	s25 =	sshll.u32 s0, $0x1;
	s28 =	smul.u32 $0x50000, s0  }
0x7: {  	[smem:$0x7FF] =	sst s4;
	s2 =	sor.u32 s5, s25;
	s9 =	smul.u32 $0x140000, s5  }
0x8: {  	s31 =	sshll.u32 s0, $0x6;
	s5 =	ssub.s32 $0x2, s5;
	s7 =	smul.u32 $0x500, s2  }
0x9: {  	s2 =	rddreg [dreg:$0x3];
	_ =	strace $0x80000050;
	s26 =	sshrl.u32 s8, $0x3  }
0xa: {  	s29 =	sshrl.u32 s5, $0x1;
	s30 =	sshrl.u32 s28, $0x2;
	s8 =	sadd.s32 s8, s9  }
0xb: {  	s12 =	ssub.s32 s5, s29;
	s13 =	sadd.s32 s30, s3;
	s8 =	sshrl.u32 s8, $0x3  }
0xc: {  	s10 =	sadd.s32 s7, s6;
	s7 =	sadd.s32 s26, s6;
	s11 =	sadd.s32 s8, s6  }
0xd: {  	s5 =	sadd.s32 $0x17000, s7;
	s6 =	sor.u32 $0x1C02, s31;
	s7 =	sadd.s32 $0xD000, s10  }
0xe: {  	s8 =	sadd.s32 $0x3000, s10;
	s10 =	smax.u32 s12, $0x1;
	s12 =	simm.s32 $0x2  }
0xf: {  	s9 =	sadd.s32 $0x3F000, s11;
	s11 =	sshrl.u32 s13, $0x3;
	s13 =	simm.s32 $0x14000  }
.LBB2_1:
0x10: {  	[spmem:s11], [sflag:s6] =	dma.local [hbm:s5], $0x2800  }
0x11: {  	_ =	swait.ge [sflag:s12], $0x2800  }
0x12: {  	[sflag:s12] =	ssyncset.done $0x0  }
0x13: {  	[sflag:s12] =	ssyncadd.s32 $0xFFFFD800  }
0x14: {  	[tilespmem:s13], [sflag:$0x2] =	stream.linear.gather [hbm4b:s7+s4], $0x2780, $0x38;
	[tilespmem:$0x1D000] =	vst v63  }
0x15: {  	_ =	swait.ge [sflag:s12], $0x2780  }
0x16: {  	[sflag:s12] =	ssyncset.done $0x0  }
0x17: {  	[sflag:s12] =	ssyncadd.s32 $0xFFFFD880  }
0x18: {  	[tilespmem:s14], [sflag:$0x2] =	stream.linear.gather [hbm4b:s8+s4], $0x2780, $0x38;
	[tilespmem:$0x1D000] =	vst v63  }
0x19: {  	_ =	swait.ge [sflag:s12], $0x2780  }
0x1a: {  	[sflag:s12] =	ssyncset.done $0x0  }
0x1b: {  	[sflag:s12] =	ssyncadd.s32 $0xFFFFD880  }
0x1c: {  	s19 =	simm.s32 $0x14000;
	[bflag:$0x0] =	sbarrier.arrive $0xFFFF  }
0x1d: {  	[tilespmem:s16], [sflag:$0x1] =	stream.indirect.gather [hbm4b:s1+s15], $0x80, s19, s15, $0xb8;
	[tilespmem:$0x1D000] =	vst v63  }
0x1e: {  	_ =	swait.ge [sflag:s17], $0x4000  }
0x1f: {  	[sflag:s17] =	ssyncset.done $0x0  }
0x20: {  	s31 =	simm.s32 $0x16800;
	[sflag:s17] =	ssyncadd.s32 $0xFFFFC000  }
0x21: {  	[spmem:s3] =	stream.indirect.scatter.add.f32 [tilespmem:s16], [sflag:$0x2], $0x80, s31, s15, $0xb8;
	[tilespmem:$0x1D000] =	vst v63  }
0x22: {  	_ =	swait.ge [sflag:s12], $0x4000  }
0x23: {  	s20 =	simm.s32 $0x400;
	s19 =	simm.s32 $0x80;
	[sflag:s12] =	ssyncset.done $0x0  }
.LBB2_2:
0x24: {  	s21 =	sadd.s32 $0x14000, s19  }
0x25: {  	[sflag:s12] =	ssyncadd.s32 $0xFFFFC000;
	s22 =	smov.u32 s20;
	s23 =	sadd.s32 $0x200, s20  }
0x26: {  	[tilespmem:s16], [sflag:$0x1] =	stream.indirect.gather [hbm4b:s1+s15], $0x80, s21, s15, $0xb8;
	[tilespmem:$0x1D000] =	vst v63  }
0x27: {  	p0 =	sne.s32 s20, $0x9C00;
	_ =	swait.ge [sflag:s17], $0x4000  }
.Ltmp0:
0x28: {  	[sflag:s17] =	ssyncset.done $0x0;
	(pc) =	sbr.rel @p0 .LBB2_2-.Ltmp0, $4  }
0x29: {  	s19 =	sadd.s32 $0x16800, s19;
	[sflag:s17] =	ssyncadd.s32 $0xFFFFC000  }
0x2a: {  	[spmem:s3] =	stream.indirect.scatter.add.f32 [tilespmem:s16], [sflag:$0x2], $0x80, s19, s15, $0xb8;
	[tilespmem:$0x1D000] =	vst v63  }
0x2b: {  	_ =	swait.ge [sflag:s12], $0x4000  }
0x2c: {  	s20 =	smov.u32 s23;
	s19 =	sshra.s32 s22, $0x2;
	[sflag:s12] =	ssyncset.done $0x0  }
0x2d: {  	s20 =	sadd.s32 $0x14000, s19;
	[sflag:s12] =	ssyncadd.s32 $0xFFFFC000  }
0x2e: {  	[tilespmem:s16], [sflag:$0x1] =	stream.indirect.gather [hbm4b:s1+s15], $0x80, s20, s15, $0xb8;
	[tilespmem:$0x1D000] =	vst v63  }
0x2f: {  	_ =	swait.ge [sflag:s17], $0x4000  }
0x30: {  	[sflag:s17] =	ssyncset.done $0x0  }
0x31: {  	s31 =	sadd.s32 $0x16800, s19;
	[sflag:s17] =	ssyncadd.s32 $0xFFFFC000  }
0x32: {  	[spmem:s3] =	stream.indirect.scatter.add.f32 [tilespmem:s16], [sflag:$0x2], $0x80, s31, s15, $0xb8;
	[tilespmem:$0x1D000] =	vst v63  }
0x33: {  	_ =	swait.ge [sflag:s12], $0x4000  }
0x34: {  	s18 =	sadd.s32 $0x1, s18;
	[sflag:s12] =	ssyncset.done $0x0  }
0x35: {  	p0 =	sne.s32 s18, s10;
	[sflag:s12] =	ssyncadd.s32 $0xFFFFC000  }
.Ltmp1:
0x36: {  	[bflag:$0x0] =	sbarrier.arrive $0xFFFF;
	(pc) =	sbr.rel @p0 .LBB2_1-.Ltmp1, $4  }
0x37: {  	[hbm:s9], [sflag:s6] =	dma.local [spmem:s11], $0x2800  }
0x38: {  	_ =	swait.ge [sflag:s12], $0x2800  }
0x39: {  	[sflag:s12] =	ssyncset.done $0x0  }
0x3a: {  	[sflag:s12] =	ssyncadd.s32 $0xFFFFD800  }
0x3b: {  	_ =	sfence.sel $0x180000  }
0x3c: {  	[bflag:$0x0] =	sbarrier.arrive $0xFFFF  }
0x3d: {  	p0 =	sne.s32 s0, $0x0;
	_ =	strace $0x90000050  }
0x3e: {  	s0 =	sadd.s32 @!p0 $0x100000, s2;
	[bflag:$0x2] =	sbarrier.arrive $0xFFFF  }
0x3f: {  	[sflag:s0] =	ssyncadd.tile.s32 @!p0 $0x1;
	_ =	shalt  }
.Lfunc_end2:
_tile_overlayer_lowered:
.L_overlay_start_2:
0x40: {  	(tag) =	ssettag $0x2  }
0x41: {  	s0 =	rddreg [dreg:$0x0];
	s2 =	stileid.u32  }
0x42: {  	s1 =	rddreg [dreg:$0x1];
	p0 =	sne.s32 s2, $0x0  }
0x43: {  	s3 =	rddreg [dreg:$0x2];
	[bflag:$0x3] =	sbarrier.arrive $0xFFFF;
	s2 =	simm.s32 @!p0 $0x1C02  }
0x44: {  	[timem:s3], [sflag:s2] =	dma.local @!p0 [hbm:s0], s1  }
0x45: {  	s0 =	simm.s32 @!p0 $0x2  }
0x46: {  	_ =	swait.ge @!p0 [sflag:s0], s1  }
0x47: {  	s1 =	ssub.s32 @!p0 $0x0, s1;
	[sflag:s0] =	ssyncset.done @!p0 $0x0  }
0x48: {  	[sflag:s0] =	ssyncadd.s32 @!p0 s1  }
0x49: {  	[bflag:$0x3] =	sbarrier.arrive $0xFFFF  }
0x4a: {  	_ =	shalt  }

</sc_bundles>
